<compile_context>
chip_gen: v7x
topology: tpu7x:2x2x1
jax: 0.10.2.dev20260603
libtpu: 0.0.44.dev20260713+nightly
codegen_flags: <defaults>
</compile_context>

<pallas_src>
import functools

import jax
import jax.numpy as jnp
from jax import lax
from jax.experimental import pallas as pl
from jax.experimental.pallas import tpu as pltpu
from jax.experimental.pallas import tpu_sc as plsc

N_NODES = 100000
D = 128
B = 16384
K = 32
NC = 2
NS = 16
NW = NC * NS
BPW = B // NW
SC_ELEMS = 128
N_SC = BPW // SC_ELEMS
GROUP = 4
N_GROUPS = SC_ELEMS // GROUP
ROWS = GROUP * K
NV = D // 16


def _sc_body(table, nidx_hbm, node_hbm, out_hbm,
             nidx_v, node_v, node_buf, out_buf, nbuf0, nbuf1,
             sem_n, sem0, sem1):
  wid = lax.axis_index("s") * NC + lax.axis_index("c")
  base = wid * BPW

  pltpu.sync_copy(nidx_hbm.at[pl.ds(base * K, BPW * K)], nidx_v)
  pltpu.sync_copy(node_hbm.at[pl.ds(base, BPW)], node_v)

  nbufs = (nbuf0, nbuf1)
  sems = (sem0, sem1)

  def superchunk(sc_i, _):
    pltpu.async_copy(
        table.at[node_v.at[pl.ds(sc_i * SC_ELEMS, SC_ELEMS)]],
        node_buf, sem_n).wait()

    def issue(g, buf, sem):
      off = (sc_i * N_GROUPS + g) * ROWS
      pltpu.async_copy(table.at[nidx_v.at[pl.ds(off, ROWS)]], buf, sem)

    def wait(g, buf, sem):
      off = (sc_i * N_GROUPS + g) * ROWS
      pltpu.make_async_copy(
          table.at[nidx_v.at[pl.ds(off, ROWS)]], buf, sem).wait()

    issue(0, nbufs[0], sems[0])

    def pair(i, _):
      for b2 in range(2):
        g = 2 * i + b2
        buf, sem = nbufs[b2], sems[b2]

        @pl.when(g < N_GROUPS - 1)
        def _():
          issue(g + 1, nbufs[1 - b2], sems[1 - b2])

        wait(g, buf, sem)
        for el in range(GROUP):
          row = g * GROUP + el

          def red(r, acc):
            return tuple(acc[j] + buf[el * K + r, pl.ds(16 * j, 16)]
                         for j in range(NV))

          acc = tuple(node_buf[row, pl.ds(16 * j, 16)] for j in range(NV))
          acc = lax.fori_loop(0, K, red, acc)
          for j in range(NV):
            out_buf[row, pl.ds(16 * j, 16)] = acc[j]
      return ()

    lax.fori_loop(0, N_GROUPS // 2, pair, ())
    pltpu.sync_copy(out_buf, out_hbm.at[pl.ds(base + sc_i * SC_ELEMS, SC_ELEMS)])
    return ()

  lax.fori_loop(0, N_SC, superchunk, ())


_gather_sum = functools.partial(
    pl.kernel,
    out_type=jax.ShapeDtypeStruct((B, D), jnp.float32),
    mesh=plsc.VectorSubcoreMesh(core_axis_name="c", subcore_axis_name="s"),
    scratch_types=[
        pltpu.VMEM((BPW * K,), jnp.int32),
        pltpu.VMEM((BPW,), jnp.int32),
        pltpu.VMEM((SC_ELEMS, D), jnp.float32),
        pltpu.VMEM((SC_ELEMS, D), jnp.float32),
        pltpu.VMEM((ROWS, D), jnp.float32),
        pltpu.VMEM((ROWS, D), jnp.float32),
        pltpu.SemaphoreType.DMA,
        pltpu.SemaphoreType.DMA,
        pltpu.SemaphoreType.DMA,
    ],
)(_sc_body)


def _mm_body(x_ref, w_ref, o_ref):
  y = jnp.dot(x_ref[...], w_ref[...], preferred_element_type=jnp.float32)
  o_ref[...] = jnp.maximum(y, 0.0) * (1.0 / (K + 1))


BM = 2048

_matmul_relu = pl.pallas_call(
    _mm_body,
    grid=(B // BM,),
    in_specs=[
        pl.BlockSpec((BM, D), lambda m: (m, 0)),
        pl.BlockSpec((D, D), lambda m: (0, 0)),
    ],
    out_specs=pl.BlockSpec((BM, D), lambda m: (m, 0)),
    out_shape=jax.ShapeDtypeStruct((B, D), jnp.float32),
)


@jax.jit
def kernel(features, node, neighbours, raw_features, neigh_weights, i):
  nidx = neighbours.astype(jnp.int32).reshape(-1)
  node_idx = node.astype(jnp.int32).reshape(-1)
  sums = _gather_sum(features, nidx, node_idx)
  out = _matmul_relu(sums, neigh_weights)
  return (out, raw_features)

# --- scband reference (transcript-rebuilt; emitter-appended) ---
"""Pipeline reference for scband-mean-aggregator-5076651344590 (READ-ONLY COPY).

The authoritative reference and input builder live on the scoring server;
editing this copy changes nothing except your own understanding.
"""

import jax, jax.numpy as jnp
import numpy as np

N_NODES = 100000
D_FEAT = 128
UNITS = 128
BATCH = 16384
NEIGH_MAX = 32


def setup_inputs(seed: int = 0) -> dict:
    key = jax.random.key(seed)
    k1, k2, k3, k4, k5 = jax.random.split(key, 5)
    features = jax.random.normal(k1, (N_NODES, D_FEAT), dtype=jnp.float32)
    raw_features = jax.random.normal(k2, (N_NODES, D_FEAT), dtype=jnp.float32)
    node = jax.random.randint(k3, (BATCH, 1), 0, N_NODES, dtype=jnp.int64 if jax.config.jax_enable_x64 else jnp.int32)
    neighbours = jax.random.randint(k4, (BATCH, NEIGH_MAX), 0, N_NODES, dtype=jnp.int64 if jax.config.jax_enable_x64 else jnp.int32)
    # glorot-uniform init for neigh_weights [input_dim, units]
    limit = np.sqrt(6.0 / (D_FEAT + UNITS))
    neigh_weights = jax.random.uniform(k5, (D_FEAT, UNITS), dtype=jnp.float32, minval=-limit, maxval=limit)
    return {
        "features": features,
        "node": node,
        "neighbours": neighbours,
        "raw_features": raw_features,
        "neigh_weights": neigh_weights,
        "i": 0,
    }


def reference(features, node, neighbours, raw_features, neigh_weights, i):
    # embedding lookups (gathers)
    node_feat = jnp.take(features, node, axis=0)          # [B, 1, d]
    neigh_feat = jnp.take(features, neighbours, axis=0)   # [B, K, d]
    # dropout_rate = 0.0 -> identity
    concat_feat = jnp.concatenate([neigh_feat, node_feat], axis=1)  # [B, K+1, d]
    concat_mean = jnp.mean(concat_feat, axis=1)           # [B, d]
    output = concat_mean @ neigh_weights                  # [B, units]
    # use_bias = False
    output = jax.nn.relu(output)
    return (output, raw_features)

if __name__ == "__main__":
    import jax
    _d = setup_inputs()
    print(jax.jit(kernel)(*tuple(_d.values())))

</pallas_src>

<mosaic_0001>
#map = affine_map<(d0, d1) -> (0, 0)>
#map1 = affine_map<(d0, d1) -> (0)>
module attributes {stable_mosaic.version = 14 : i64} {
  func.func @_sc_body(%arg0: i32, %arg1: i32, %arg2: memref<100000x128xf32, #tpu.memory_space<hbm>>, %arg3: memref<524288xi32, #tpu.memory_space<hbm>>, %arg4: memref<16384xi32, #tpu.memory_space<hbm>>, %arg5: memref<16384x128xf32, #tpu.memory_space<hbm>>, %arg6: memref<16384xi32, #tpu.memory_space<vmem>>, %arg7: memref<512xi32, #tpu.memory_space<vmem>>, %arg8: memref<128x128xf32, #tpu.memory_space<vmem>>, %arg9: memref<128x128xf32, #tpu.memory_space<vmem>>, %arg10: memref<128x128xf32, #tpu.memory_space<vmem>>, %arg11: memref<128x128xf32, #tpu.memory_space<vmem>>, %arg12: memref<!tpu.dma_semaphore, #tpu.memory_space<semaphore_mem>>, %arg13: memref<!tpu.dma_semaphore, #tpu.memory_space<semaphore_mem>>, %arg14: memref<!tpu.dma_semaphore, #tpu.memory_space<semaphore_mem>>) attributes {dimension_semantics = [#tpu.dimension_semantics<core_parallel>, #tpu.dimension_semantics<subcore_parallel>], iteration_bounds = array<i64: 2, 16>, scalar_prefetch = 0 : i64, scratch_operands = 9 : i64, tpu.core_type = #tpu.core_type<sc_vector_subcore>, window_params = [{transform_indices = #map}, {transform_indices = #map1}, {transform_indices = #map1}, {transform_indices = #map}]} {
    %mul3A = arith.constant 2 : i32
    %mul3A_0 = arith.muli %arg1, %mul3A : i32
    %add3A = arith.addi %mul3A_0, %arg0 : i32
    %mul3A_1 = arith.constant 512 : i32
    %mul3A_2 = arith.muli %add3A, %mul3A_1 : i32
    %mul3A_3 = arith.constant 32 : i32
    %mul3A_4 = arith.muli %mul3A_2, %mul3A_3 : i32
    "tpu.region"() ({
      %run_scoped3A = tpu.sem_alloc : memref<!tpu.dma_semaphore, #tpu.memory_space<semaphore_mem>>
      %dma_start3A = tpu.memref_slice %arg3[%mul3A_4] : memref<524288xi32, #tpu.memory_space<hbm>> -> memref<16384xi32, #tpu.memory_space<hbm>>
      %dma_start3A_9 = tpu.memref_slice %arg3[%mul3A_4] : memref<524288xi32, #tpu.memory_space<hbm>> -> memref<16384xi32, #tpu.memory_space<hbm>>
      tpu.enqueue_dma source(%dma_start3A_9 : memref<16384xi32, #tpu.memory_space<hbm>>) target(%arg6 : memref<16384xi32, #tpu.memory_space<vmem>>) target_semaphore(%run_scoped3A : memref<!tpu.dma_semaphore, #tpu.memory_space<semaphore_mem>>)
      %dma_wait3A = tpu.memref_slice %arg3[%mul3A_4] : memref<524288xi32, #tpu.memory_space<hbm>> -> memref<16384xi32, #tpu.memory_space<hbm>>
      %dma_wait3A_10 = tpu.memref_slice %arg3[%mul3A_4] : memref<524288xi32, #tpu.memory_space<hbm>> -> memref<16384xi32, #tpu.memory_space<hbm>>
      tpu.wait_dma2 semaphore(%run_scoped3A : memref<!tpu.dma_semaphore, #tpu.memory_space<semaphore_mem>>) src(%dma_wait3A_10 : memref<16384xi32, #tpu.memory_space<hbm>>) dst(%arg6 : memref<16384xi32, #tpu.memory_space<vmem>>)
      tpu.yield
    }) : () -> ()
    "tpu.region"() ({
      %run_scoped3A = tpu.sem_alloc : memref<!tpu.dma_semaphore, #tpu.memory_space<semaphore_mem>>
      %dma_start3A = tpu.memref_slice %arg4[%mul3A_2] : memref<16384xi32, #tpu.memory_space<hbm>> -> memref<512xi32, #tpu.memory_space<hbm>>
      %dma_start3A_9 = tpu.memref_slice %arg4[%mul3A_2] : memref<16384xi32, #tpu.memory_space<hbm>> -> memref<512xi32, #tpu.memory_space<hbm>>
      tpu.enqueue_dma source(%dma_start3A_9 : memref<512xi32, #tpu.memory_space<hbm>>) target(%arg7 : memref<512xi32, #tpu.memory_space<vmem>>) target_semaphore(%run_scoped3A : memref<!tpu.dma_semaphore, #tpu.memory_space<semaphore_mem>>)
      %dma_wait3A = tpu.memref_slice %arg4[%mul3A_2] : memref<16384xi32, #tpu.memory_space<hbm>> -> memref<512xi32, #tpu.memory_space<hbm>>
      %dma_wait3A_10 = tpu.memref_slice %arg4[%mul3A_2] : memref<16384xi32, #tpu.memory_space<hbm>> -> memref<512xi32, #tpu.memory_space<hbm>>
      tpu.wait_dma2 semaphore(%run_scoped3A : memref<!tpu.dma_semaphore, #tpu.memory_space<semaphore_mem>>) src(%dma_wait3A_10 : memref<512xi32, #tpu.memory_space<hbm>>) dst(%arg7 : memref<512xi32, #tpu.memory_space<vmem>>)
      tpu.yield
    }) : () -> ()
    %scan3A = arith.constant 0 : i32
    %scan3A_5 = arith.constant 4 : i32
    %scan3A_6 = arith.addi %scan3A, %scan3A_5 : i32
    %scan3A_7 = arith.constant 1 : i32
    scf.for %scan3A_9 = %scan3A to %scan3A_6 step %scan3A_7  : i32 {
      %mul3A_10 = arith.constant 128 : i32
      %mul3A_11 = arith.muli %scan3A_9, %mul3A_10 : i32
      %dma_start3A = tpu.memref_slice %arg7[%mul3A_11] : memref<512xi32, #tpu.memory_space<vmem>> -> memref<128xi32, #tpu.memory_space<vmem>>
      %dma_start3A_12 = arith.constant 0 : i32
      %dma_start3A_13 = arith.constant 0 : i32
      %dma_start3A_14 = tpu.memref_slice %arg2[%dma_start3A_12, %dma_start3A_13] : memref<100000x128xf32, #tpu.memory_space<hbm>> -> memref<100000x128xf32, #tpu.memory_space<hbm>>
      tpu.enqueue_indirect_dma source(%dma_start3A_14 : memref<100000x128xf32, #tpu.memory_space<hbm>>) target(%arg8 : memref<128x128xf32, #tpu.memory_space<vmem>>) offsets(%dma_start3A : memref<128xi32, #tpu.memory_space<vmem>>) semaphore(%arg12 : memref<!tpu.dma_semaphore, #tpu.memory_space<semaphore_mem>>)
      %dma_wait3A = tpu.memref_slice %arg7[%mul3A_11] : memref<512xi32, #tpu.memory_space<vmem>> -> memref<128xi32, #tpu.memory_space<vmem>>
      %dma_wait3A_15 = arith.constant 0 : i32
      %dma_wait3A_16 = arith.constant 0 : i32
      %dma_wait3A_17 = tpu.memref_slice %arg2[%dma_wait3A_15, %dma_wait3A_16] : memref<100000x128xf32, #tpu.memory_space<hbm>> -> memref<100000x128xf32, #tpu.memory_space<hbm>>
      tpu.wait_indirect_dma semaphore(%arg12 : memref<!tpu.dma_semaphore, #tpu.memory_space<semaphore_mem>>) src(%dma_wait3A_17 : memref<100000x128xf32, #tpu.memory_space<hbm>>) dst(%arg8 : memref<128x128xf32, #tpu.memory_space<vmem>>)
      %mul3A_18 = arith.constant 32 : i32
      %mul3A_19 = arith.muli %scan3A_9, %mul3A_18 : i32
      %add3A_20 = arith.constant 0 : i32
      %add3A_21 = arith.addi %mul3A_19, %add3A_20 : i32
      %mul3A_22 = arith.constant 128 : i32
      %mul3A_23 = arith.muli %add3A_21, %mul3A_22 : i32
      %dma_start3A_24 = tpu.memref_slice %arg6[%mul3A_23] : memref<16384xi32, #tpu.memory_space<vmem>> -> memref<128xi32, #tpu.memory_space<vmem>>
      %dma_start3A_25 = arith.constant 0 : i32
      %dma_start3A_26 = arith.constant 0 : i32
      %dma_start3A_27 = tpu.memref_slice %arg2[%dma_start3A_25, %dma_start3A_26] : memref<100000x128xf32, #tpu.memory_space<hbm>> -> memref<100000x128xf32, #tpu.memory_space<hbm>>
      tpu.enqueue_indirect_dma source(%dma_start3A_27 : memref<100000x128xf32, #tpu.memory_space<hbm>>) target(%arg10 : memref<128x128xf32, #tpu.memory_space<vmem>>) offsets(%dma_start3A_24 : memref<128xi32, #tpu.memory_space<vmem>>) semaphore(%arg13 : memref<!tpu.dma_semaphore, #tpu.memory_space<semaphore_mem>>)
      %scan3A_28 = arith.constant 0 : i32
      %scan3A_29 = arith.constant 16 : i32
      %scan3A_30 = arith.addi %scan3A_28, %scan3A_29 : i32
      %scan3A_31 = arith.constant 1 : i32
      scf.for %scan3A_36 = %scan3A_28 to %scan3A_30 step %scan3A_31  : i32 {
        %mul3A_37 = arith.constant 2 : i32
        %mul3A_38 = arith.muli %mul3A_37, %scan3A_36 : i32
        %add3A_39 = arith.constant 0 : i32
        %add3A_40 = arith.addi %mul3A_38, %add3A_39 : i32
        %lt3A = arith.constant 31 : i32
        %lt3A_41 = arith.cmpi slt, %add3A_40, %lt3A : i32
        %convert_element_type3A = arith.extui %lt3A_41 : i1 to i32
        %cond3A = arith.constant 0 : i32
        %cond3A_42 = arith.cmpi ne, %convert_element_type3A, %cond3A : i32
        scf.if %cond3A_42 {
          %add3A_724 = arith.constant 1 : i32
          %add3A_725 = arith.addi %add3A_40, %add3A_724 : i32
          %mul3A_726 = arith.constant 32 : i32
          %mul3A_727 = arith.muli %scan3A_9, %mul3A_726 : i32
          %add3A_728 = arith.addi %mul3A_727, %add3A_725 : i32
          %mul3A_729 = arith.constant 128 : i32
          %mul3A_730 = arith.muli %add3A_728, %mul3A_729 : i32
          %dma_start3A_731 = tpu.memref_slice %arg6[%mul3A_730] : memref<16384xi32, #tpu.memory_space<vmem>> -> memref<128xi32, #tpu.memory_space<vmem>>
          %dma_start3A_732 = arith.constant 0 : i32
          %dma_start3A_733 = arith.constant 0 : i32
          %dma_start3A_734 = tpu.memref_slice %arg2[%dma_start3A_732, %dma_start3A_733] : memref<100000x128xf32, #tpu.memory_space<hbm>> -> memref<100000x128xf32, #tpu.memory_space<hbm>>
          tpu.enqueue_indirect_dma source(%dma_start3A_734 : memref<100000x128xf32, #tpu.memory_space<hbm>>) target(%arg11 : memref<128x128xf32, #tpu.memory_space<vmem>>) offsets(%dma_start3A_731 : memref<128xi32, #tpu.memory_space<vmem>>) semaphore(%arg14 : memref<!tpu.dma_semaphore, #tpu.memory_space<semaphore_mem>>)
        } else {
        }
        %mul3A_43 = arith.constant 32 : i32
        %mul3A_44 = arith.muli %scan3A_9, %mul3A_43 : i32
        %add3A_45 = arith.addi %mul3A_44, %add3A_40 : i32
        %mul3A_46 = arith.constant 128 : i32
        %mul3A_47 = arith.muli %add3A_45, %mul3A_46 : i32
        %dma_wait3A_48 = tpu.memref_slice %arg6[%mul3A_47] : memref<16384xi32, #tpu.memory_space<vmem>> -> memref<128xi32, #tpu.memory_space<vmem>>
        %dma_wait3A_49 = arith.constant 0 : i32
        %dma_wait3A_50 = arith.constant 0 : i32
        %dma_wait3A_51 = tpu.memref_slice %arg2[%dma_wait3A_49, %dma_wait3A_50] : memref<100000x128xf32, #tpu.memory_space<hbm>> -> memref<100000x128xf32, #tpu.memory_space<hbm>>
        tpu.wait_indirect_dma semaphore(%arg13 : memref<!tpu.dma_semaphore, #tpu.memory_space<semaphore_mem>>) src(%dma_wait3A_51 : memref<100000x128xf32, #tpu.memory_space<hbm>>) dst(%arg10 : memref<128x128xf32, #tpu.memory_space<vmem>>)
        %mul3A_52 = arith.constant 4 : i32
        %mul3A_53 = arith.muli %add3A_40, %mul3A_52 : i32
        %add3A_54 = arith.constant 0 : i32
        %add3A_55 = arith.addi %mul3A_53, %add3A_54 : i32
        %get3A = arith.index_cast %add3A_55 : i32 to index
        %get3A_56 = arith.constant 0 : index
        %get3A_57 = tpu.vector_load %arg8[%get3A, %get3A_56] {strides = array<i32>} : memref<128x128xf32, #tpu.memory_space<vmem>>, vector<1x16xf32>,
        %get3A_58 = vector.shape_cast %get3A_57 : vector<1x16xf32> to vector<16xf32>
        %get3A_59 = arith.index_cast %add3A_55 : i32 to index
        %get3A_60 = arith.constant 16 : index
        %get3A_61 = tpu.vector_load %arg8[%get3A_59, %get3A_60] {strides = array<i32>} : memref<128x128xf32, #tpu.memory_space<vmem>>, vector<1x16xf32>,
        %get3A_62 = vector.shape_cast %get3A_61 : vector<1x16xf32> to vector<16xf32>
        %get3A_63 = arith.index_cast %add3A_55 : i32 to index
        %get3A_64 = arith.constant 32 : index
        %get3A_65 = tpu.vector_load %arg8[%get3A_63, %get3A_64] {strides = array<i32>} : memref<128x128xf32, #tpu.memory_space<vmem>>, vector<1x16xf32>,
        %get3A_66 = vector.shape_cast %get3A_65 : vector<1x16xf32> to vector<16xf32>
        %get3A_67 = arith.index_cast %add3A_55 : i32 to index
        %get3A_68 = arith.constant 48 : index
        %get3A_69 = tpu.vector_load %arg8[%get3A_67, %get3A_68] {strides = array<i32>} : memref<128x128xf32, #tpu.memory_space<vmem>>, vector<1x16xf32>,
        %get3A_70 = vector.shape_cast %get3A_69 : vector<1x16xf32> to vector<16xf32>
        %get3A_71 = arith.index_cast %add3A_55 : i32 to index
        %get3A_72 = arith.constant 64 : index
        %get3A_73 = tpu.vector_load %arg8[%get3A_71, %get3A_72] {strides = array<i32>} : memref<128x128xf32, #tpu.memory_space<vmem>>, vector<1x16xf32>,
        %get3A_74 = vector.shape_cast %get3A_73 : vector<1x16xf32> to vector<16xf32>
        %get3A_75 = arith.index_cast %add3A_55 : i32 to index
        %get3A_76 = arith.constant 80 : index
        %get3A_77 = tpu.vector_load %arg8[%get3A_75, %get3A_76] {strides = array<i32>} : memref<128x128xf32, #tpu.memory_space<vmem>>, vector<1x16xf32>,
        %get3A_78 = vector.shape_cast %get3A_77 : vector<1x16xf32> to vector<16xf32>
        %get3A_79 = arith.index_cast %add3A_55 : i32 to index
        %get3A_80 = arith.constant 96 : index
        %get3A_81 = tpu.vector_load %arg8[%get3A_79, %get3A_80] {strides = array<i32>} : memref<128x128xf32, #tpu.memory_space<vmem>>, vector<1x16xf32>,
        %get3A_82 = vector.shape_cast %get3A_81 : vector<1x16xf32> to vector<16xf32>
        %get3A_83 = arith.index_cast %add3A_55 : i32 to index
        %get3A_84 = arith.constant 112 : index
        %get3A_85 = tpu.vector_load %arg8[%get3A_83, %get3A_84] {strides = array<i32>} : memref<128x128xf32, #tpu.memory_space<vmem>>, vector<1x16xf32>,
        %get3A_86 = vector.shape_cast %get3A_85 : vector<1x16xf32> to vector<16xf32>
        %scan3A_87 = arith.constant 0 : i32
        %scan3A_88 = arith.constant 32 : i32
        %scan3A_89 = arith.addi %scan3A_87, %scan3A_88 : i32
        %scan3A_90 = arith.constant 1 : i32
        %scan3A_91:8 = scf.for %scan3A_724 = %scan3A_87 to %scan3A_89 step %scan3A_90 iter_args(%scan3A_725 = %get3A_58, %scan3A_726 = %get3A_62, %scan3A_727 = %get3A_66, %scan3A_728 = %get3A_70, %scan3A_729 = %get3A_74, %scan3A_730 = %get3A_78, %scan3A_731 = %get3A_82, %scan3A_732 = %get3A_86) -> (vector<16xf32>, vector<16xf32>, vector<16xf32>, vector<16xf32>, vector<16xf32>, vector<16xf32>, vector<16xf32>, vector<16xf32>)  : i32 {
          %add3A_733 = arith.constant 0 : i32
          %add3A_734 = arith.addi %add3A_733, %scan3A_724 : i32
          %get3A_735 = arith.index_cast %add3A_734 : i32 to index
          %get3A_736 = arith.constant 0 : index
          %get3A_737 = tpu.vector_load %arg10[%get3A_735, %get3A_736] {strides = array<i32>} : memref<128x128xf32, #tpu.memory_space<vmem>>, vector<1x16xf32>,
          %get3A_738 = vector.shape_cast %get3A_737 : vector<1x16xf32> to vector<16xf32>
          %add3A_739 = arith.addf %scan3A_725, %get3A_738 : vector<16xf32>
          %add3A_740 = arith.constant 0 : i32
          %add3A_741 = arith.addi %add3A_740, %scan3A_724 : i32
          %get3A_742 = arith.index_cast %add3A_741 : i32 to index
          %get3A_743 = arith.constant 16 : index
          %get3A_744 = tpu.vector_load %arg10[%get3A_742, %get3A_743] {strides = array<i32>} : memref<128x128xf32, #tpu.memory_space<vmem>>, vector<1x16xf32>,
          %get3A_745 = vector.shape_cast %get3A_744 : vector<1x16xf32> to vector<16xf32>
          %add3A_746 = arith.addf %scan3A_726, %get3A_745 : vector<16xf32>
          %add3A_747 = arith.constant 0 : i32
          %add3A_748 = arith.addi %add3A_747, %scan3A_724 : i32
          %get3A_749 = arith.index_cast %add3A_748 : i32 to index
          %get3A_750 = arith.constant 32 : index
          %get3A_751 = tpu.vector_load %arg10[%get3A_749, %get3A_750] {strides = array<i32>} : memref<128x128xf32, #tpu.memory_space<vmem>>, vector<1x16xf32>,
          %get3A_752 = vector.shape_cast %get3A_751 : vector<1x16xf32> to vector<16xf32>
          %add3A_753 = arith.addf %scan3A_727, %get3A_752 : vector<16xf32>
          %add3A_754 = arith.constant 0 : i32
          %add3A_755 = arith.addi %add3A_754, %scan3A_724 : i32
          %get3A_756 = arith.index_cast %add3A_755 : i32 to index
          %get3A_757 = arith.constant 48 : index
          %get3A_758 = tpu.vector_load %arg10[%get3A_756, %get3A_757] {strides = array<i32>} : memref<128x128xf32, #tpu.memory_space<vmem>>, vector<1x16xf32>,
          %get3A_759 = vector.shape_cast %get3A_758 : vector<1x16xf32> to vector<16xf32>
          %add3A_760 = arith.addf %scan3A_728, %get3A_759 : vector<16xf32>
          %add3A_761 = arith.constant 0 : i32
          %add3A_762 = arith.addi %add3A_761, %scan3A_724 : i32
          %get3A_763 = arith.index_cast %add3A_762 : i32 to index
          %get3A_764 = arith.constant 64 : index
          %get3A_765 = tpu.vector_load %arg10[%get3A_763, %get3A_764] {strides = array<i32>} : memref<128x128xf32, #tpu.memory_space<vmem>>, vector<1x16xf32>,
          %get3A_766 = vector.shape_cast %get3A_765 : vector<1x16xf32> to vector<16xf32>
          %add3A_767 = arith.addf %scan3A_729, %get3A_766 : vector<16xf32>
          %add3A_768 = arith.constant 0 : i32
          %add3A_769 = arith.addi %add3A_768, %scan3A_724 : i32
          %get3A_770 = arith.index_cast %add3A_769 : i32 to index
          %get3A_771 = arith.constant 80 : index
          %get3A_772 = tpu.vector_load %arg10[%get3A_770, %get3A_771] {strides = array<i32>} : memref<128x128xf32, #tpu.memory_space<vmem>>, vector<1x16xf32>,
          %get3A_773 = vector.shape_cast %get3A_772 : vector<1x16xf32> to vector<16xf32>
          %add3A_774 = arith.addf %scan3A_730, %get3A_773 : vector<16xf32>
          %add3A_775 = arith.constant 0 : i32
          %add3A_776 = arith.addi %add3A_775, %scan3A_724 : i32
          %get3A_777 = arith.index_cast %add3A_776 : i32 to index
          %get3A_778 = arith.constant 96 : index
          %get3A_779 = tpu.vector_load %arg10[%get3A_777, %get3A_778] {strides = array<i32>} : memref<128x128xf32, #tpu.memory_space<vmem>>, vector<1x16xf32>,
          %get3A_780 = vector.shape_cast %get3A_779 : vector<1x16xf32> to vector<16xf32>
          %add3A_781 = arith.addf %scan3A_731, %get3A_780 : vector<16xf32>
          %add3A_782 = arith.constant 0 : i32
          %add3A_783 = arith.addi %add3A_782, %scan3A_724 : i32
          %get3A_784 = arith.index_cast %add3A_783 : i32 to index
          %get3A_785 = arith.constant 112 : index
          %get3A_786 = tpu.vector_load %arg10[%get3A_784, %get3A_785] {strides = array<i32>} : memref<128x128xf32, #tpu.memory_space<vmem>>, vector<1x16xf32>,
          %get3A_787 = vector.shape_cast %get3A_786 : vector<1x16xf32> to vector<16xf32>
          %add3A_788 = arith.addf %scan3A_732, %get3A_787 : vector<16xf32>
          scf.yield %add3A_739, %add3A_746, %add3A_753, %add3A_760, %add3A_767, %add3A_774, %add3A_781, %add3A_788 : vector<16xf32>, vector<16xf32>, vector<16xf32>, vector<16xf32>, vector<16xf32>, vector<16xf32>, vector<16xf32>, vector<16xf32>
        }
        %scan3A_92 = arith.constant 32 : i32
        %swap3A = arith.index_cast %add3A_55 : i32 to index
        %swap3A_93 = arith.constant 0 : index
        %swap3A_94 = tpu.vector_load %arg9[%swap3A, %swap3A_93] {strides = array<i32>} : memref<128x128xf32, #tpu.memory_space<vmem>>, vector<1x16xf32>,
        %swap3A_95 = vector.shape_cast %swap3A_94 : vector<1x16xf32> to vector<16xf32>
        %swap3A_96 = vector.shape_cast %scan3A_91#0 : vector<16xf32> to vector<1x16xf32>
        tpu.vector_store %arg9[%swap3A, %swap3A_93], %swap3A_96 {strides = array<i32>} : memref<128x128xf32, #tpu.memory_space<vmem>>, vector<1x16xf32>,
        %swap3A_97 = arith.index_cast %add3A_55 : i32 to index
        %swap3A_98 = arith.constant 16 : index
        %swap3A_99 = tpu.vector_load %arg9[%swap3A_97, %swap3A_98] {strides = array<i32>} : memref<128x128xf32, #tpu.memory_space<vmem>>, vector<1x16xf32>,
        %swap3A_100 = vector.shape_cast %swap3A_99 : vector<1x16xf32> to vector<16xf32>
        %swap3A_101 = vector.shape_cast %scan3A_91#1 : vector<16xf32> to vector<1x16xf32>
        tpu.vector_store %arg9[%swap3A_97, %swap3A_98], %swap3A_101 {strides = array<i32>} : memref<128x128xf32, #tpu.memory_space<vmem>>, vector<1x16xf32>,
        %swap3A_102 = arith.index_cast %add3A_55 : i32 to index
        %swap3A_103 = arith.constant 32 : index
        %swap3A_104 = tpu.vector_load %arg9[%swap3A_102, %swap3A_103] {strides = array<i32>} : memref<128x128xf32, #tpu.memory_space<vmem>>, vector<1x16xf32>,
        %swap3A_105 = vector.shape_cast %swap3A_104 : vector<1x16xf32> to vector<16xf32>
        %swap3A_106 = vector.shape_cast %scan3A_91#2 : vector<16xf32> to vector<1x16xf32>
        tpu.vector_store %arg9[%swap3A_102, %swap3A_103], %swap3A_106 {strides = array<i32>} : memref<128x128xf32, #tpu.memory_space<vmem>>, vector<1x16xf32>,
        %swap3A_107 = arith.index_cast %add3A_55 : i32 to index
        %swap3A_108 = arith.constant 48 : index
        %swap3A_109 = tpu.vector_load %arg9[%swap3A_107, %swap3A_108] {strides = array<i32>} : memref<128x128xf32, #tpu.memory_space<vmem>>, vector<1x16xf32>,
        %swap3A_110 = vector.shape_cast %swap3A_109 : vector<1x16xf32> to vector<16xf32>
        %swap3A_111 = vector.shape_cast %scan3A_91#3 : vector<16xf32> to vector<1x16xf32>
        tpu.vector_store %arg9[%swap3A_107, %swap3A_108], %swap3A_111 {strides = array<i32>} : memref<128x128xf32, #tpu.memory_space<vmem>>, vector<1x16xf32>,
        %swap3A_112 = arith.index_cast %add3A_55 : i32 to index
        %swap3A_113 = arith.constant 64 : index
        %swap3A_114 = tpu.vector_load %arg9[%swap3A_112, %swap3A_113] {strides = array<i32>} : memref<128x128xf32, #tpu.memory_space<vmem>>, vector<1x16xf32>,
        %swap3A_115 = vector.shape_cast %swap3A_114 : vector<1x16xf32> to vector<16xf32>
        %swap3A_116 = vector.shape_cast %scan3A_91#4 : vector<16xf32> to vector<1x16xf32>
        tpu.vector_store %arg9[%swap3A_112, %swap3A_113], %swap3A_116 {strides = array<i32>} : memref<128x128xf32, #tpu.memory_space<vmem>>, vector<1x16xf32>,
        %swap3A_117 = arith.index_cast %add3A_55 : i32 to index
        %swap3A_118 = arith.constant 80 : index
        %swap3A_119 = tpu.vector_load %arg9[%swap3A_117, %swap3A_118] {strides = array<i32>} : memref<128x128xf32, #tpu.memory_space<vmem>>, vector<1x16xf32>,
        %swap3A_120 = vector.shape_cast %swap3A_119 : vector<1x16xf32> to vector<16xf32>
        %swap3A_121 = vector.shape_cast %scan3A_91#5 : vector<16xf32> to vector<1x16xf32>
        tpu.vector_store %arg9[%swap3A_117, %swap3A_118], %swap3A_121 {strides = array<i32>} : memref<128x128xf32, #tpu.memory_space<vmem>>, vector<1x16xf32>,
        %swap3A_122 = arith.index_cast %add3A_55 : i32 to index
        %swap3A_123 = arith.constant 96 : index
        %swap3A_124 = tpu.vector_load %arg9[%swap3A_122, %swap3A_123] {strides = array<i32>} : memref<128x128xf32, #tpu.memory_space<vmem>>, vector<1x16xf32>,
        %swap3A_125 = vector.shape_cast %swap3A_124 : vector<1x16xf32> to vector<16xf32>
        %swap3A_126 = vector.shape_cast %scan3A_91#6 : vector<16xf32> to vector<1x16xf32>
        tpu.vector_store %arg9[%swap3A_122, %swap3A_123], %swap3A_126 {strides = array<i32>} : memref<128x128xf32, #tpu.memory_space<vmem>>, vector<1x16xf32>,
        %swap3A_127 = arith.index_cast %add3A_55 : i32 to index
        %swap3A_128 = arith.constant 112 : index
        %swap3A_129 = tpu.vector_load %arg9[%swap3A_127, %swap3A_128] {strides = array<i32>} : memref<128x128xf32, #tpu.memory_space<vmem>>, vector<1x16xf32>,
        %swap3A_130 = vector.shape_cast %swap3A_129 : vector<1x16xf32> to vector<16xf32>
        %swap3A_131 = vector.shape_cast %scan3A_91#7 : vector<16xf32> to vector<1x16xf32>
        tpu.vector_store %arg9[%swap3A_127, %swap3A_128], %swap3A_131 {strides = array<i32>} : memref<128x128xf32, #tpu.memory_space<vmem>>, vector<1x16xf32>,
        %mul3A_132 = arith.constant 4 : i32
        %mul3A_133 = arith.muli %add3A_40, %mul3A_132 : i32
        %add3A_134 = arith.constant 1 : i32
        %add3A_135 = arith.addi %mul3A_133, %add3A_134 : i32
        %get3A_136 = arith.index_cast %add3A_135 : i32 to index
        %get3A_137 = arith.constant 0 : index
        %get3A_138 = tpu.vector_load %arg8[%get3A_136, %get3A_137] {strides = array<i32>} : memref<128x128xf32, #tpu.memory_space<vmem>>, vector<1x16xf32>,
        %get3A_139 = vector.shape_cast %get3A_138 : vector<1x16xf32> to vector<16xf32>
        %get3A_140 = arith.index_cast %add3A_135 : i32 to index
        %get3A_141 = arith.constant 16 : index
        %get3A_142 = tpu.vector_load %arg8[%get3A_140, %get3A_141] {strides = array<i32>} : memref<128x128xf32, #tpu.memory_space<vmem>>, vector<1x16xf32>,
        %get3A_143 = vector.shape_cast %get3A_142 : vector<1x16xf32> to vector<16xf32>
        %get3A_144 = arith.index_cast %add3A_135 : i32 to index
        %get3A_145 = arith.constant 32 : index
        %get3A_146 = tpu.vector_load %arg8[%get3A_144, %get3A_145] {strides = array<i32>} : memref<128x128xf32, #tpu.memory_space<vmem>>, vector<1x16xf32>,
        %get3A_147 = vector.shape_cast %get3A_146 : vector<1x16xf32> to vector<16xf32>
        %get3A_148 = arith.index_cast %add3A_135 : i32 to index
        %get3A_149 = arith.constant 48 : index
        %get3A_150 = tpu.vector_load %arg8[%get3A_148, %get3A_149] {strides = array<i32>} : memref<128x128xf32, #tpu.memory_space<vmem>>, vector<1x16xf32>,
        %get3A_151 = vector.shape_cast %get3A_150 : vector<1x16xf32> to vector<16xf32>
        %get3A_152 = arith.index_cast %add3A_135 : i32 to index
        %get3A_153 = arith.constant 64 : index
        %get3A_154 = tpu.vector_load %arg8[%get3A_152, %get3A_153] {strides = array<i32>} : memref<128x128xf32, #tpu.memory_space<vmem>>, vector<1x16xf32>,
        %get3A_155 = vector.shape_cast %get3A_154 : vector<1x16xf32> to vector<16xf32>
        %get3A_156 = arith.index_cast %add3A_135 : i32 to index
        %get3A_157 = arith.constant 80 : index
        %get3A_158 = tpu.vector_load %arg8[%get3A_156, %get3A_157] {strides = array<i32>} : memref<128x128xf32, #tpu.memory_space<vmem>>, vector<1x16xf32>,
        %get3A_159 = vector.shape_cast %get3A_158 : vector<1x16xf32> to vector<16xf32>
        %get3A_160 = arith.index_cast %add3A_135 : i32 to index
        %get3A_161 = arith.constant 96 : index
        %get3A_162 = tpu.vector_load %arg8[%get3A_160, %get3A_161] {strides = array<i32>} : memref<128x128xf32, #tpu.memory_space<vmem>>, vector<1x16xf32>,
        %get3A_163 = vector.shape_cast %get3A_162 : vector<1x16xf32> to vector<16xf32>
        %get3A_164 = arith.index_cast %add3A_135 : i32 to index
        %get3A_165 = arith.constant 112 : index
        %get3A_166 = tpu.vector_load %arg8[%get3A_164, %get3A_165] {strides = array<i32>} : memref<128x128xf32, #tpu.memory_space<vmem>>, vector<1x16xf32>,
        %get3A_167 = vector.shape_cast %get3A_166 : vector<1x16xf32> to vector<16xf32>
        %scan3A_168 = arith.constant 0 : i32
        %scan3A_169 = arith.constant 32 : i32
        %scan3A_170 = arith.addi %scan3A_168, %scan3A_169 : i32
        %scan3A_171 = arith.constant 1 : i32
        %scan3A_172:8 = scf.for %scan3A_724 = %scan3A_168 to %scan3A_170 step %scan3A_171 iter_args(%scan3A_725 = %get3A_139, %scan3A_726 = %get3A_143, %scan3A_727 = %get3A_147, %scan3A_728 = %get3A_151, %scan3A_729 = %get3A_155, %scan3A_730 = %get3A_159, %scan3A_731 = %get3A_163, %scan3A_732 = %get3A_167) -> (vector<16xf32>, vector<16xf32>, vector<16xf32>, vector<16xf32>, vector<16xf32>, vector<16xf32>, vector<16xf32>, vector<16xf32>)  : i32 {
          %add3A_733 = arith.constant 32 : i32
          %add3A_734 = arith.addi %add3A_733, %scan3A_724 : i32
          %get3A_735 = arith.index_cast %add3A_734 : i32 to index
          %get3A_736 = arith.constant 0 : index
          %get3A_737 = tpu.vector_load %arg10[%get3A_735, %get3A_736] {strides = array<i32>} : memref<128x128xf32, #tpu.memory_space<vmem>>, vector<1x16xf32>,
          %get3A_738 = vector.shape_cast %get3A_737 : vector<1x16xf32> to vector<16xf32>
          %add3A_739 = arith.addf %scan3A_725, %get3A_738 : vector<16xf32>
          %add3A_740 = arith.constant 32 : i32
          %add3A_741 = arith.addi %add3A_740, %scan3A_724 : i32
          %get3A_742 = arith.index_cast %add3A_741 : i32 to index
          %get3A_743 = arith.constant 16 : index
          %get3A_744 = tpu.vector_load %arg10[%get3A_742, %get3A_743] {strides = array<i32>} : memref<128x128xf32, #tpu.memory_space<vmem>>, vector<1x16xf32>,
          %get3A_745 = vector.shape_cast %get3A_744 : vector<1x16xf32> to vector<16xf32>
          %add3A_746 = arith.addf %scan3A_726, %get3A_745 : vector<16xf32>
          %add3A_747 = arith.constant 32 : i32
          %add3A_748 = arith.addi %add3A_747, %scan3A_724 : i32
          %get3A_749 = arith.index_cast %add3A_748 : i32 to index
          %get3A_750 = arith.constant 32 : index
          %get3A_751 = tpu.vector_load %arg10[%get3A_749, %get3A_750] {strides = array<i32>} : memref<128x128xf32, #tpu.memory_space<vmem>>, vector<1x16xf32>,
          %get3A_752 = vector.shape_cast %get3A_751 : vector<1x16xf32> to vector<16xf32>
          %add3A_753 = arith.addf %scan3A_727, %get3A_752 : vector<16xf32>
          %add3A_754 = arith.constant 32 : i32
          %add3A_755 = arith.addi %add3A_754, %scan3A_724 : i32
          %get3A_756 = arith.index_cast %add3A_755 : i32 to index
          %get3A_757 = arith.constant 48 : index
          %get3A_758 = tpu.vector_load %arg10[%get3A_756, %get3A_757] {strides = array<i32>} : memref<128x128xf32, #tpu.memory_space<vmem>>, vector<1x16xf32>,
          %get3A_759 = vector.shape_cast %get3A_758 : vector<1x16xf32> to vector<16xf32>
          %add3A_760 = arith.addf %scan3A_728, %get3A_759 : vector<16xf32>
          %add3A_761 = arith.constant 32 : i32
          %add3A_762 = arith.addi %add3A_761, %scan3A_724 : i32
          %get3A_763 = arith.index_cast %add3A_762 : i32 to index
          %get3A_764 = arith.constant 64 : index
          %get3A_765 = tpu.vector_load %arg10[%get3A_763, %get3A_764] {strides = array<i32>} : memref<128x128xf32, #tpu.memory_space<vmem>>, vector<1x16xf32>,
          %get3A_766 = vector.shape_cast %get3A_765 : vector<1x16xf32> to vector<16xf32>
          %add3A_767 = arith.addf %scan3A_729, %get3A_766 : vector<16xf32>
          %add3A_768 = arith.constant 32 : i32
          %add3A_769 = arith.addi %add3A_768, %scan3A_724 : i32
          %get3A_770 = arith.index_cast %add3A_769 : i32 to index
          %get3A_771 = arith.constant 80 : index
          %get3A_772 = tpu.vector_load %arg10[%get3A_770, %get3A_771] {strides = array<i32>} : memref<128x128xf32, #tpu.memory_space<vmem>>, vector<1x16xf32>,
          %get3A_773 = vector.shape_cast %get3A_772 : vector<1x16xf32> to vector<16xf32>
          %add3A_774 = arith.addf %scan3A_730, %get3A_773 : vector<16xf32>
          %add3A_775 = arith.constant 32 : i32
          %add3A_776 = arith.addi %add3A_775, %scan3A_724 : i32
          %get3A_777 = arith.index_cast %add3A_776 : i32 to index
          %get3A_778 = arith.constant 96 : index
          %get3A_779 = tpu.vector_load %arg10[%get3A_777, %get3A_778] {strides = array<i32>} : memref<128x128xf32, #tpu.memory_space<vmem>>, vector<1x16xf32>,
          %get3A_780 = vector.shape_cast %get3A_779 : vector<1x16xf32> to vector<16xf32>
          %add3A_781 = arith.addf %scan3A_731, %get3A_780 : vector<16xf32>
          %add3A_782 = arith.constant 32 : i32
          %add3A_783 = arith.addi %add3A_782, %scan3A_724 : i32
          %get3A_784 = arith.index_cast %add3A_783 : i32 to index
          %get3A_785 = arith.constant 112 : index
          %get3A_786 = tpu.vector_load %arg10[%get3A_784, %get3A_785] {strides = array<i32>} : memref<128x128xf32, #tpu.memory_space<vmem>>, vector<1x16xf32>,
          %get3A_787 = vector.shape_cast %get3A_786 : vector<1x16xf32> to vector<16xf32>
          %add3A_788 = arith.addf %scan3A_732, %get3A_787 : vector<16xf32>
          scf.yield %add3A_739, %add3A_746, %add3A_753, %add3A_760, %add3A_767, %add3A_774, %add3A_781, %add3A_788 : vector<16xf32>, vector<16xf32>, vector<16xf32>, vector<16xf32>, vector<16xf32>, vector<16xf32>, vector<16xf32>, vector<16xf32>
        }
        %scan3A_173 = arith.constant 32 : i32
        %swap3A_174 = arith.index_cast %add3A_135 : i32 to index
        %swap3A_175 = arith.constant 0 : index
        %swap3A_176 = tpu.vector_load %arg9[%swap3A_174, %swap3A_175] {strides = array<i32>} : memref<128x128xf32, #tpu.memory_space<vmem>>, vector<1x16xf32>,
        %swap3A_177 = vector.shape_cast %swap3A_176 : vector<1x16xf32> to vector<16xf32>
        %swap3A_178 = vector.shape_cast %scan3A_172#0 : vector<16xf32> to vector<1x16xf32>
        tpu.vector_store %arg9[%swap3A_174, %swap3A_175], %swap3A_178 {strides = array<i32>} : memref<128x128xf32, #tpu.memory_space<vmem>>, vector<1x16xf32>,
        %swap3A_179 = arith.index_cast %add3A_135 : i32 to index
        %swap3A_180 = arith.constant 16 : index
        %swap3A_181 = tpu.vector_load %arg9[%swap3A_179, %swap3A_180] {strides = array<i32>} : memref<128x128xf32, #tpu.memory_space<vmem>>, vector<1x16xf32>,
        %swap3A_182 = vector.shape_cast %swap3A_181 : vector<1x16xf32> to vector<16xf32>
        %swap3A_183 = vector.shape_cast %scan3A_172#1 : vector<16xf32> to vector<1x16xf32>
        tpu.vector_store %arg9[%swap3A_179, %swap3A_180], %swap3A_183 {strides = array<i32>} : memref<128x128xf32, #tpu.memory_space<vmem>>, vector<1x16xf32>,
        %swap3A_184 = arith.index_cast %add3A_135 : i32 to index
        %swap3A_185 = arith.constant 32 : index
        %swap3A_186 = tpu.vector_load %arg9[%swap3A_184, %swap3A_185] {strides = array<i32>} : memref<128x128xf32, #tpu.memory_space<vmem>>, vector<1x16xf32>,
        %swap3A_187 = vector.shape_cast %swap3A_186 : vector<1x16xf32> to vector<16xf32>
        %swap3A_188 = vector.shape_cast %scan3A_172#2 : vector<16xf32> to vector<1x16xf32>
        tpu.vector_store %arg9[%swap3A_184, %swap3A_185], %swap3A_188 {strides = array<i32>} : memref<128x128xf32, #tpu.memory_space<vmem>>, vector<1x16xf32>,
        %swap3A_189 = arith.index_cast %add3A_135 : i32 to index
        %swap3A_190 = arith.constant 48 : index
        %swap3A_191 = tpu.vector_load %arg9[%swap3A_189, %swap3A_190] {strides = array<i32>} : memref<128x128xf32, #tpu.memory_space<vmem>>, vector<1x16xf32>,
        %swap3A_192 = vector.shape_cast %swap3A_191 : vector<1x16xf32> to vector<16xf32>
        %swap3A_193 = vector.shape_cast %scan3A_172#3 : vector<16xf32> to vector<1x16xf32>
        tpu.vector_store %arg9[%swap3A_189, %swap3A_190], %swap3A_193 {strides = array<i32>} : memref<128x128xf32, #tpu.memory_space<vmem>>, vector<1x16xf32>,
        %swap3A_194 = arith.index_cast %add3A_135 : i32 to index
        %swap3A_195 = arith.constant 64 : index
        %swap3A_196 = tpu.vector_load %arg9[%swap3A_194, %swap3A_195] {strides = array<i32>} : memref<128x128xf32, #tpu.memory_space<vmem>>, vector<1x16xf32>,
        %swap3A_197 = vector.shape_cast %swap3A_196 : vector<1x16xf32> to vector<16xf32>
        %swap3A_198 = vector.shape_cast %scan3A_172#4 : vector<16xf32> to vector<1x16xf32>
        tpu.vector_store %arg9[%swap3A_194, %swap3A_195], %swap3A_198 {strides = array<i32>} : memref<128x128xf32, #tpu.memory_space<vmem>>, vector<1x16xf32>,
        %swap3A_199 = arith.index_cast %add3A_135 : i32 to index
        %swap3A_200 = arith.constant 80 : index
        %swap3A_201 = tpu.vector_load %arg9[%swap3A_199, %swap3A_200] {strides = array<i32>} : memref<128x128xf32, #tpu.memory_space<vmem>>, vector<1x16xf32>,
        %swap3A_202 = vector.shape_cast %swap3A_201 : vector<1x16xf32> to vector<16xf32>
        %swap3A_203 = vector.shape_cast %scan3A_172#5 : vector<16xf32> to vector<1x16xf32>
        tpu.vector_store %arg9[%swap3A_199, %swap3A_200], %swap3A_203 {strides = array<i32>} : memref<128x128xf32, #tpu.memory_space<vmem>>, vector<1x16xf32>,
        %swap3A_204 = arith.index_cast %add3A_135 : i32 to index
        %swap3A_205 = arith.constant 96 : index
        %swap3A_206 = tpu.vector_load %arg9[%swap3A_204, %swap3A_205] {strides = array<i32>} : memref<128x128xf32, #tpu.memory_space<vmem>>, vector<1x16xf32>,
        %swap3A_207 = vector.shape_cast %swap3A_206 : vector<1x16xf32> to vector<16xf32>
        %swap3A_208 = vector.shape_cast %scan3A_172#6 : vector<16xf32> to vector<1x16xf32>
        tpu.vector_store %arg9[%swap3A_204, %swap3A_205], %swap3A_208 {strides = array<i32>} : memref<128x128xf32, #tpu.memory_space<vmem>>, vector<1x16xf32>,
        %swap3A_209 = arith.index_cast %add3A_135 : i32 to index
        %swap3A_210 = arith.constant 112 : index
        %swap3A_211 = tpu.vector_load %arg9[%swap3A_209, %swap3A_210] {strides = array<i32>} : memref<128x128xf32, #tpu.memory_space<vmem>>, vector<1x16xf32>,
        %swap3A_212 = vector.shape_cast %swap3A_211 : vector<1x16xf32> to vector<16xf32>
        %swap3A_213 = vector.shape_cast %scan3A_172#7 : vector<16xf32> to vector<1x16xf32>
        tpu.vector_store %arg9[%swap3A_209, %swap3A_210], %swap3A_213 {strides = array<i32>} : memref<128x128xf32, #tpu.memory_space<vmem>>, vector<1x16xf32>,
        %mul3A_214 = arith.constant 4 : i32
        %mul3A_215 = arith.muli %add3A_40, %mul3A_214 : i32
        %add3A_216 = arith.constant 2 : i32
        %add3A_217 = arith.addi %mul3A_215, %add3A_216 : i32
        %get3A_218 = arith.index_cast %add3A_217 : i32 to index
        %get3A_219 = arith.constant 0 : index
        %get3A_220 = tpu.vector_load %arg8[%get3A_218, %get3A_219] {strides = array<i32>} : memref<128x128xf32, #tpu.memory_space<vmem>>, vector<1x16xf32>,
        %get3A_221 = vector.shape_cast %get3A_220 : vector<1x16xf32> to vector<16xf32>
        %get3A_222 = arith.index_cast %add3A_217 : i32 to index
        %get3A_223 = arith.constant 16 : index
        %get3A_224 = tpu.vector_load %arg8[%get3A_222, %get3A_223] {strides = array<i32>} : memref<128x128xf32, #tpu.memory_space<vmem>>, vector<1x16xf32>,
        %get3A_225 = vector.shape_cast %get3A_224 : vector<1x16xf32> to vector<16xf32>
        %get3A_226 = arith.index_cast %add3A_217 : i32 to index
        %get3A_227 = arith.constant 32 : index
        %get3A_228 = tpu.vector_load %arg8[%get3A_226, %get3A_227] {strides = array<i32>} : memref<128x128xf32, #tpu.memory_space<vmem>>, vector<1x16xf32>,
        %get3A_229 = vector.shape_cast %get3A_228 : vector<1x16xf32> to vector<16xf32>
        %get3A_230 = arith.index_cast %add3A_217 : i32 to index
        %get3A_231 = arith.constant 48 : index
        %get3A_232 = tpu.vector_load %arg8[%get3A_230, %get3A_231] {strides = array<i32>} : memref<128x128xf32, #tpu.memory_space<vmem>>, vector<1x16xf32>,
        %get3A_233 = vector.shape_cast %get3A_232 : vector<1x16xf32> to vector<16xf32>
        %get3A_234 = arith.index_cast %add3A_217 : i32 to index
        %get3A_235 = arith.constant 64 : index
        %get3A_236 = tpu.vector_load %arg8[%get3A_234, %get3A_235] {strides = array<i32>} : memref<128x128xf32, #tpu.memory_space<vmem>>, vector<1x16xf32>,
        %get3A_237 = vector.shape_cast %get3A_236 : vector<1x16xf32> to vector<16xf32>
        %get3A_238 = arith.index_cast %add3A_217 : i32 to index
        %get3A_239 = arith.constant 80 : index
        %get3A_240 = tpu.vector_load %arg8[%get3A_238, %get3A_239] {strides = array<i32>} : memref<128x128xf32, #tpu.memory_space<vmem>>, vector<1x16xf32>,
        %get3A_241 = vector.shape_cast %get3A_240 : vector<1x16xf32> to vector<16xf32>
        %get3A_242 = arith.index_cast %add3A_217 : i32 to index
        %get3A_243 = arith.constant 96 : index
        %get3A_244 = tpu.vector_load %arg8[%get3A_242, %get3A_243] {strides = array<i32>} : memref<128x128xf32, #tpu.memory_space<vmem>>, vector<1x16xf32>,
        %get3A_245 = vector.shape_cast %get3A_244 : vector<1x16xf32> to vector<16xf32>
        %get3A_246 = arith.index_cast %add3A_217 : i32 to index
        %get3A_247 = arith.constant 112 : index
        %get3A_248 = tpu.vector_load %arg8[%get3A_246, %get3A_247] {strides = array<i32>} : memref<128x128xf32, #tpu.memory_space<vmem>>, vector<1x16xf32>,
        %get3A_249 = vector.shape_cast %get3A_248 : vector<1x16xf32> to vector<16xf32>
        %scan3A_250 = arith.constant 0 : i32
        %scan3A_251 = arith.constant 32 : i32
        %scan3A_252 = arith.addi %scan3A_250, %scan3A_251 : i32
        %scan3A_253 = arith.constant 1 : i32
        %scan3A_254:8 = scf.for %scan3A_724 = %scan3A_250 to %scan3A_252 step %scan3A_253 iter_args(%scan3A_725 = %get3A_221, %scan3A_726 = %get3A_225, %scan3A_727 = %get3A_229, %scan3A_728 = %get3A_233, %scan3A_729 = %get3A_237, %scan3A_730 = %get3A_241, %scan3A_731 = %get3A_245, %scan3A_732 = %get3A_249) -> (vector<16xf32>, vector<16xf32>, vector<16xf32>, vector<16xf32>, vector<16xf32>, vector<16xf32>, vector<16xf32>, vector<16xf32>)  : i32 {
          %add3A_733 = arith.constant 64 : i32
          %add3A_734 = arith.addi %add3A_733, %scan3A_724 : i32
          %get3A_735 = arith.index_cast %add3A_734 : i32 to index
          %get3A_736 = arith.constant 0 : index
          %get3A_737 = tpu.vector_load %arg10[%get3A_735, %get3A_736] {strides = array<i32>} : memref<128x128xf32, #tpu.memory_space<vmem>>, vector<1x16xf32>,
          %get3A_738 = vector.shape_cast %get3A_737 : vector<1x16xf32> to vector<16xf32>
          %add3A_739 = arith.addf %scan3A_725, %get3A_738 : vector<16xf32>
          %add3A_740 = arith.constant 64 : i32
          %add3A_741 = arith.addi %add3A_740, %scan3A_724 : i32
          %get3A_742 = arith.index_cast %add3A_741 : i32 to index
          %get3A_743 = arith.constant 16 : index
          %get3A_744 = tpu.vector_load %arg10[%get3A_742, %get3A_743] {strides = array<i32>} : memref<128x128xf32, #tpu.memory_space<vmem>>, vector<1x16xf32>,
          %get3A_745 = vector.shape_cast %get3A_744 : vector<1x16xf32> to vector<16xf32>
          %add3A_746 = arith.addf %scan3A_726, %get3A_745 : vector<16xf32>
          %add3A_747 = arith.constant 64 : i32
          %add3A_748 = arith.addi %add3A_747, %scan3A_724 : i32
          %get3A_749 = arith.index_cast %add3A_748 : i32 to index
          %get3A_750 = arith.constant 32 : index
          %get3A_751 = tpu.vector_load %arg10[%get3A_749, %get3A_750] {strides = array<i32>} : memref<128x128xf32, #tpu.memory_space<vmem>>, vector<1x16xf32>,
          %get3A_752 = vector.shape_cast %get3A_751 : vector<1x16xf32> to vector<16xf32>
          %add3A_753 = arith.addf %scan3A_727, %get3A_752 : vector<16xf32>
          %add3A_754 = arith.constant 64 : i32
          %add3A_755 = arith.addi %add3A_754, %scan3A_724 : i32
          %get3A_756 = arith.index_cast %add3A_755 : i32 to index
          %get3A_757 = arith.constant 48 : index
          %get3A_758 = tpu.vector_load %arg10[%get3A_756, %get3A_757] {strides = array<i32>} : memref<128x128xf32, #tpu.memory_space<vmem>>, vector<1x16xf32>,
          %get3A_759 = vector.shape_cast %get3A_758 : vector<1x16xf32> to vector<16xf32>
          %add3A_760 = arith.addf %scan3A_728, %get3A_759 : vector<16xf32>
          %add3A_761 = arith.constant 64 : i32
          %add3A_762 = arith.addi %add3A_761, %scan3A_724 : i32
          %get3A_763 = arith.index_cast %add3A_762 : i32 to index
          %get3A_764 = arith.constant 64 : index
          %get3A_765 = tpu.vector_load %arg10[%get3A_763, %get3A_764] {strides = array<i32>} : memref<128x128xf32, #tpu.memory_space<vmem>>, vector<1x16xf32>,
          %get3A_766 = vector.shape_cast %get3A_765 : vector<1x16xf32> to vector<16xf32>
          %add3A_767 = arith.addf %scan3A_729, %get3A_766 : vector<16xf32>
          %add3A_768 = arith.constant 64 : i32
          %add3A_769 = arith.addi %add3A_768, %scan3A_724 : i32
          %get3A_770 = arith.index_cast %add3A_769 : i32 to index
          %get3A_771 = arith.constant 80 : index
          %get3A_772 = tpu.vector_load %arg10[%get3A_770, %get3A_771] {strides = array<i32>} : memref<128x128xf32, #tpu.memory_space<vmem>>, vector<1x16xf32>,
          %get3A_773 = vector.shape_cast %get3A_772 : vector<1x16xf32> to vector<16xf32>
          %add3A_774 = arith.addf %scan3A_730, %get3A_773 : vector<16xf32>
          %add3A_775 = arith.constant 64 : i32
          %add3A_776 = arith.addi %add3A_775, %scan3A_724 : i32
          %get3A_777 = arith.index_cast %add3A_776 : i32 to index
          %get3A_778 = arith.constant 96 : index
          %get3A_779 = tpu.vector_load %arg10[%get3A_777, %get3A_778] {strides = array<i32>} : memref<128x128xf32, #tpu.memory_space<vmem>>, vector<1x16xf32>,
          %get3A_780 = vector.shape_cast %get3A_779 : vector<1x16xf32> to vector<16xf32>
          %add3A_781 = arith.addf %scan3A_731, %get3A_780 : vector<16xf32>
          %add3A_782 = arith.constant 64 : i32
          %add3A_783 = arith.addi %add3A_782, %scan3A_724 : i32
          %get3A_784 = arith.index_cast %add3A_783 : i32 to index
          %get3A_785 = arith.constant 112 : index
          %get3A_786 = tpu.vector_load %arg10[%get3A_784, %get3A_785] {strides = array<i32>} : memref<128x128xf32, #tpu.memory_space<vmem>>, vector<1x16xf32>,
          %get3A_787 = vector.shape_cast %get3A_786 : vector<1x16xf32> to vector<16xf32>
          %add3A_788 = arith.addf %scan3A_732, %get3A_787 : vector<16xf32>
          scf.yield %add3A_739, %add3A_746, %add3A_753, %add3A_760, %add3A_767, %add3A_774, %add3A_781, %add3A_788 : vector<16xf32>, vector<16xf32>, vector<16xf32>, vector<16xf32>, vector<16xf32>, vector<16xf32>, vector<16xf32>, vector<16xf32>
        }
        %scan3A_255 = arith.constant 32 : i32
        %swap3A_256 = arith.index_cast %add3A_217 : i32 to index
        %swap3A_257 = arith.constant 0 : index
        %swap3A_258 = tpu.vector_load %arg9[%swap3A_256, %swap3A_257] {strides = array<i32>} : memref<128x128xf32, #tpu.memory_space<vmem>>, vector<1x16xf32>,
        %swap3A_259 = vector.shape_cast %swap3A_258 : vector<1x16xf32> to vector<16xf32>
        %swap3A_260 = vector.shape_cast %scan3A_254#0 : vector<16xf32> to vector<1x16xf32>
        tpu.vector_store %arg9[%swap3A_256, %swap3A_257], %swap3A_260 {strides = array<i32>} : memref<128x128xf32, #tpu.memory_space<vmem>>, vector<1x16xf32>,
        %swap3A_261 = arith.index_cast %add3A_217 : i32 to index
        %swap3A_262 = arith.constant 16 : index
        %swap3A_263 = tpu.vector_load %arg9[%swap3A_261, %swap3A_262] {strides = array<i32>} : memref<128x128xf32, #tpu.memory_space<vmem>>, vector<1x16xf32>,
        %swap3A_264 = vector.shape_cast %swap3A_263 : vector<1x16xf32> to vector<16xf32>
        %swap3A_265 = vector.shape_cast %scan3A_254#1 : vector<16xf32> to vector<1x16xf32>
        tpu.vector_store %arg9[%swap3A_261, %swap3A_262], %swap3A_265 {strides = array<i32>} : memref<128x128xf32, #tpu.memory_space<vmem>>, vector<1x16xf32>,
        %swap3A_266 = arith.index_cast %add3A_217 : i32 to index
        %swap3A_267 = arith.constant 32 : index
        %swap3A_268 = tpu.vector_load %arg9[%swap3A_266, %swap3A_267] {strides = array<i32>} : memref<128x128xf32, #tpu.memory_space<vmem>>, vector<1x16xf32>,
        %swap3A_269 = vector.shape_cast %swap3A_268 : vector<1x16xf32> to vector<16xf32>
        %swap3A_270 = vector.shape_cast %scan3A_254#2 : vector<16xf32> to vector<1x16xf32>
        tpu.vector_store %arg9[%swap3A_266, %swap3A_267], %swap3A_270 {strides = array<i32>} : memref<128x128xf32, #tpu.memory_space<vmem>>, vector<1x16xf32>,
        %swap3A_271 = arith.index_cast %add3A_217 : i32 to index
        %swap3A_272 = arith.constant 48 : index
        %swap3A_273 = tpu.vector_load %arg9[%swap3A_271, %swap3A_272] {strides = array<i32>} : memref<128x128xf32, #tpu.memory_space<vmem>>, vector<1x16xf32>,
        %swap3A_274 = vector.shape_cast %swap3A_273 : vector<1x16xf32> to vector<16xf32>
        %swap3A_275 = vector.shape_cast %scan3A_254#3 : vector<16xf32> to vector<1x16xf32>
        tpu.vector_store %arg9[%swap3A_271, %swap3A_272], %swap3A_275 {strides = array<i32>} : memref<128x128xf32, #tpu.memory_space<vmem>>, vector<1x16xf32>,
        %swap3A_276 = arith.index_cast %add3A_217 : i32 to index
        %swap3A_277 = arith.constant 64 : index
        %swap3A_278 = tpu.vector_load %arg9[%swap3A_276, %swap3A_277] {strides = array<i32>} : memref<128x128xf32, #tpu.memory_space<vmem>>, vector<1x16xf32>,
        %swap3A_279 = vector.shape_cast %swap3A_278 : vector<1x16xf32> to vector<16xf32>
        %swap3A_280 = vector.shape_cast %scan3A_254#4 : vector<16xf32> to vector<1x16xf32>
        tpu.vector_store %arg9[%swap3A_276, %swap3A_277], %swap3A_280 {strides = array<i32>} : memref<128x128xf32, #tpu.memory_space<vmem>>, vector<1x16xf32>,
        %swap3A_281 = arith.index_cast %add3A_217 : i32 to index
        %swap3A_282 = arith.constant 80 : index
        %swap3A_283 = tpu.vector_load %arg9[%swap3A_281, %swap3A_282] {strides = array<i32>} : memref<128x128xf32, #tpu.memory_space<vmem>>, vector<1x16xf32>,
        %swap3A_284 = vector.shape_cast %swap3A_283 : vector<1x16xf32> to vector<16xf32>
        %swap3A_285 = vector.shape_cast %scan3A_254#5 : vector<16xf32> to vector<1x16xf32>
        tpu.vector_store %arg9[%swap3A_281, %swap3A_282], %swap3A_285 {strides = array<i32>} : memref<128x128xf32, #tpu.memory_space<vmem>>, vector<1x16xf32>,
        %swap3A_286 = arith.index_cast %add3A_217 : i32 to index
        %swap3A_287 = arith.constant 96 : index
        %swap3A_288 = tpu.vector_load %arg9[%swap3A_286, %swap3A_287] {strides = array<i32>} : memref<128x128xf32, #tpu.memory_space<vmem>>, vector<1x16xf32>,
        %swap3A_289 = vector.shape_cast %swap3A_288 : vector<1x16xf32> to vector<16xf32>
        %swap3A_290 = vector.shape_cast %scan3A_254#6 : vector<16xf32> to vector<1x16xf32>
        tpu.vector_store %arg9[%swap3A_286, %swap3A_287], %swap3A_290 {strides = array<i32>} : memref<128x128xf32, #tpu.memory_space<vmem>>, vector<1x16xf32>,
        %swap3A_291 = arith.index_cast %add3A_217 : i32 to index
        %swap3A_292 = arith.constant 112 : index
        %swap3A_293 = tpu.vector_load %arg9[%swap3A_291, %swap3A_292] {strides = array<i32>} : memref<128x128xf32, #tpu.memory_space<vmem>>, vector<1x16xf32>,
        %swap3A_294 = vector.shape_cast %swap3A_293 : vector<1x16xf32> to vector<16xf32>
        %swap3A_295 = vector.shape_cast %scan3A_254#7 : vector<16xf32> to vector<1x16xf32>
        tpu.vector_store %arg9[%swap3A_291, %swap3A_292], %swap3A_295 {strides = array<i32>} : memref<128x128xf32, #tpu.memory_space<vmem>>, vector<1x16xf32>,
        %mul3A_296 = arith.constant 4 : i32
        %mul3A_297 = arith.muli %add3A_40, %mul3A_296 : i32
        %add3A_298 = arith.constant 3 : i32
        %add3A_299 = arith.addi %mul3A_297, %add3A_298 : i32
        %get3A_300 = arith.index_cast %add3A_299 : i32 to index
        %get3A_301 = arith.constant 0 : index
        %get3A_302 = tpu.vector_load %arg8[%get3A_300, %get3A_301] {strides = array<i32>} : memref<128x128xf32, #tpu.memory_space<vmem>>, vector<1x16xf32>,
        %get3A_303 = vector.shape_cast %get3A_302 : vector<1x16xf32> to vector<16xf32>
        %get3A_304 = arith.index_cast %add3A_299 : i32 to index
        %get3A_305 = arith.constant 16 : index
        %get3A_306 = tpu.vector_load %arg8[%get3A_304, %get3A_305] {strides = array<i32>} : memref<128x128xf32, #tpu.memory_space<vmem>>, vector<1x16xf32>,
        %get3A_307 = vector.shape_cast %get3A_306 : vector<1x16xf32> to vector<16xf32>
        %get3A_308 = arith.index_cast %add3A_299 : i32 to index
        %get3A_309 = arith.constant 32 : index
        %get3A_310 = tpu.vector_load %arg8[%get3A_308, %get3A_309] {strides = array<i32>} : memref<128x128xf32, #tpu.memory_space<vmem>>, vector<1x16xf32>,
        %get3A_311 = vector.shape_cast %get3A_310 : vector<1x16xf32> to vector<16xf32>
        %get3A_312 = arith.index_cast %add3A_299 : i32 to index
        %get3A_313 = arith.constant 48 : index
        %get3A_314 = tpu.vector_load %arg8[%get3A_312, %get3A_313] {strides = array<i32>} : memref<128x128xf32, #tpu.memory_space<vmem>>, vector<1x16xf32>,
        %get3A_315 = vector.shape_cast %get3A_314 : vector<1x16xf32> to vector<16xf32>
        %get3A_316 = arith.index_cast %add3A_299 : i32 to index
        %get3A_317 = arith.constant 64 : index
        %get3A_318 = tpu.vector_load %arg8[%get3A_316, %get3A_317] {strides = array<i32>} : memref<128x128xf32, #tpu.memory_space<vmem>>, vector<1x16xf32>,
        %get3A_319 = vector.shape_cast %get3A_318 : vector<1x16xf32> to vector<16xf32>
        %get3A_320 = arith.index_cast %add3A_299 : i32 to index
        %get3A_321 = arith.constant 80 : index
        %get3A_322 = tpu.vector_load %arg8[%get3A_320, %get3A_321] {strides = array<i32>} : memref<128x128xf32, #tpu.memory_space<vmem>>, vector<1x16xf32>,
        %get3A_323 = vector.shape_cast %get3A_322 : vector<1x16xf32> to vector<16xf32>
        %get3A_324 = arith.index_cast %add3A_299 : i32 to index
        %get3A_325 = arith.constant 96 : index
        %get3A_326 = tpu.vector_load %arg8[%get3A_324, %get3A_325] {strides = array<i32>} : memref<128x128xf32, #tpu.memory_space<vmem>>, vector<1x16xf32>,
        %get3A_327 = vector.shape_cast %get3A_326 : vector<1x16xf32> to vector<16xf32>
        %get3A_328 = arith.index_cast %add3A_299 : i32 to index
        %get3A_329 = arith.constant 112 : index
        %get3A_330 = tpu.vector_load %arg8[%get3A_328, %get3A_329] {strides = array<i32>} : memref<128x128xf32, #tpu.memory_space<vmem>>, vector<1x16xf32>,
        %get3A_331 = vector.shape_cast %get3A_330 : vector<1x16xf32> to vector<16xf32>
        %scan3A_332 = arith.constant 0 : i32
        %scan3A_333 = arith.constant 32 : i32
        %scan3A_334 = arith.addi %scan3A_332, %scan3A_333 : i32
        %scan3A_335 = arith.constant 1 : i32
        %scan3A_336:8 = scf.for %scan3A_724 = %scan3A_332 to %scan3A_334 step %scan3A_335 iter_args(%scan3A_725 = %get3A_303, %scan3A_726 = %get3A_307, %scan3A_727 = %get3A_311, %scan3A_728 = %get3A_315, %scan3A_729 = %get3A_319, %scan3A_730 = %get3A_323, %scan3A_731 = %get3A_327, %scan3A_732 = %get3A_331) -> (vector<16xf32>, vector<16xf32>, vector<16xf32>, vector<16xf32>, vector<16xf32>, vector<16xf32>, vector<16xf32>, vector<16xf32>)  : i32 {
          %add3A_733 = arith.constant 96 : i32
          %add3A_734 = arith.addi %add3A_733, %scan3A_724 : i32
          %get3A_735 = arith.index_cast %add3A_734 : i32 to index
          %get3A_736 = arith.constant 0 : index
          %get3A_737 = tpu.vector_load %arg10[%get3A_735, %get3A_736] {strides = array<i32>} : memref<128x128xf32, #tpu.memory_space<vmem>>, vector<1x16xf32>,
          %get3A_738 = vector.shape_cast %get3A_737 : vector<1x16xf32> to vector<16xf32>
          %add3A_739 = arith.addf %scan3A_725, %get3A_738 : vector<16xf32>
          %add3A_740 = arith.constant 96 : i32
          %add3A_741 = arith.addi %add3A_740, %scan3A_724 : i32
          %get3A_742 = arith.index_cast %add3A_741 : i32 to index
          %get3A_743 = arith.constant 16 : index
          %get3A_744 = tpu.vector_load %arg10[%get3A_742, %get3A_743] {strides = array<i32>} : memref<128x128xf32, #tpu.memory_space<vmem>>, vector<1x16xf32>,
          %get3A_745 = vector.shape_cast %get3A_744 : vector<1x16xf32> to vector<16xf32>
          %add3A_746 = arith.addf %scan3A_726, %get3A_745 : vector<16xf32>
          %add3A_747 = arith.constant 96 : i32
          %add3A_748 = arith.addi %add3A_747, %scan3A_724 : i32
          %get3A_749 = arith.index_cast %add3A_748 : i32 to index
          %get3A_750 = arith.constant 32 : index
          %get3A_751 = tpu.vector_load %arg10[%get3A_749, %get3A_750] {strides = array<i32>} : memref<128x128xf32, #tpu.memory_space<vmem>>, vector<1x16xf32>,
          %get3A_752 = vector.shape_cast %get3A_751 : vector<1x16xf32> to vector<16xf32>
          %add3A_753 = arith.addf %scan3A_727, %get3A_752 : vector<16xf32>
          %add3A_754 = arith.constant 96 : i32
          %add3A_755 = arith.addi %add3A_754, %scan3A_724 : i32
          %get3A_756 = arith.index_cast %add3A_755 : i32 to index
          %get3A_757 = arith.constant 48 : index
          %get3A_758 = tpu.vector_load %arg10[%get3A_756, %get3A_757] {strides = array<i32>} : memref<128x128xf32, #tpu.memory_space<vmem>>, vector<1x16xf32>,
          %get3A_759 = vector.shape_cast %get3A_758 : vector<1x16xf32> to vector<16xf32>
          %add3A_760 = arith.addf %scan3A_728, %get3A_759 : vector<16xf32>
          %add3A_761 = arith.constant 96 : i32
          %add3A_762 = arith.addi %add3A_761, %scan3A_724 : i32
          %get3A_763 = arith.index_cast %add3A_762 : i32 to index
          %get3A_764 = arith.constant 64 : index
          %get3A_765 = tpu.vector_load %arg10[%get3A_763, %get3A_764] {strides = array<i32>} : memref<128x128xf32, #tpu.memory_space<vmem>>, vector<1x16xf32>,
          %get3A_766 = vector.shape_cast %get3A_765 : vector<1x16xf32> to vector<16xf32>
          %add3A_767 = arith.addf %scan3A_729, %get3A_766 : vector<16xf32>
          %add3A_768 = arith.constant 96 : i32
          %add3A_769 = arith.addi %add3A_768, %scan3A_724 : i32
          %get3A_770 = arith.index_cast %add3A_769 : i32 to index
          %get3A_771 = arith.constant 80 : index
          %get3A_772 = tpu.vector_load %arg10[%get3A_770, %get3A_771] {strides = array<i32>} : memref<128x128xf32, #tpu.memory_space<vmem>>, vector<1x16xf32>,
          %get3A_773 = vector.shape_cast %get3A_772 : vector<1x16xf32> to vector<16xf32>
          %add3A_774 = arith.addf %scan3A_730, %get3A_773 : vector<16xf32>
          %add3A_775 = arith.constant 96 : i32
          %add3A_776 = arith.addi %add3A_775, %scan3A_724 : i32
          %get3A_777 = arith.index_cast %add3A_776 : i32 to index
          %get3A_778 = arith.constant 96 : index
          %get3A_779 = tpu.vector_load %arg10[%get3A_777, %get3A_778] {strides = array<i32>} : memref<128x128xf32, #tpu.memory_space<vmem>>, vector<1x16xf32>,
          %get3A_780 = vector.shape_cast %get3A_779 : vector<1x16xf32> to vector<16xf32>
          %add3A_781 = arith.addf %scan3A_731, %get3A_780 : vector<16xf32>
          %add3A_782 = arith.constant 96 : i32
          %add3A_783 = arith.addi %add3A_782, %scan3A_724 : i32
          %get3A_784 = arith.index_cast %add3A_783 : i32 to index
          %get3A_785 = arith.constant 112 : index
          %get3A_786 = tpu.vector_load %arg10[%get3A_784, %get3A_785] {strides = array<i32>} : memref<128x128xf32, #tpu.memory_space<vmem>>, vector<1x16xf32>,
          %get3A_787 = vector.shape_cast %get3A_786 : vector<1x16xf32> to vector<16xf32>
          %add3A_788 = arith.addf %scan3A_732, %get3A_787 : vector<16xf32>
          scf.yield %add3A_739, %add3A_746, %add3A_753, %add3A_760, %add3A_767, %add3A_774, %add3A_781, %add3A_788 : vector<16xf32>, vector<16xf32>, vector<16xf32>, vector<16xf32>, vector<16xf32>, vector<16xf32>, vector<16xf32>, vector<16xf32>
        }
        %scan3A_337 = arith.constant 32 : i32
        %swap3A_338 = arith.index_cast %add3A_299 : i32 to index
        %swap3A_339 = arith.constant 0 : index
        %swap3A_340 = tpu.vector_load %arg9[%swap3A_338, %swap3A_339] {strides = array<i32>} : memref<128x128xf32, #tpu.memory_space<vmem>>, vector<1x16xf32>,
        %swap3A_341 = vector.shape_cast %swap3A_340 : vector<1x16xf32> to vector<16xf32>
        %swap3A_342 = vector.shape_cast %scan3A_336#0 : vector<16xf32> to vector<1x16xf32>
        tpu.vector_store %arg9[%swap3A_338, %swap3A_339], %swap3A_342 {strides = array<i32>} : memref<128x128xf32, #tpu.memory_space<vmem>>, vector<1x16xf32>,
        %swap3A_343 = arith.index_cast %add3A_299 : i32 to index
        %swap3A_344 = arith.constant 16 : index
        %swap3A_345 = tpu.vector_load %arg9[%swap3A_343, %swap3A_344] {strides = array<i32>} : memref<128x128xf32, #tpu.memory_space<vmem>>, vector<1x16xf32>,
        %swap3A_346 = vector.shape_cast %swap3A_345 : vector<1x16xf32> to vector<16xf32>
        %swap3A_347 = vector.shape_cast %scan3A_336#1 : vector<16xf32> to vector<1x16xf32>
        tpu.vector_store %arg9[%swap3A_343, %swap3A_344], %swap3A_347 {strides = array<i32>} : memref<128x128xf32, #tpu.memory_space<vmem>>, vector<1x16xf32>,
        %swap3A_348 = arith.index_cast %add3A_299 : i32 to index
        %swap3A_349 = arith.constant 32 : index
        %swap3A_350 = tpu.vector_load %arg9[%swap3A_348, %swap3A_349] {strides = array<i32>} : memref<128x128xf32, #tpu.memory_space<vmem>>, vector<1x16xf32>,
        %swap3A_351 = vector.shape_cast %swap3A_350 : vector<1x16xf32> to vector<16xf32>
        %swap3A_352 = vector.shape_cast %scan3A_336#2 : vector<16xf32> to vector<1x16xf32>
        tpu.vector_store %arg9[%swap3A_348, %swap3A_349], %swap3A_352 {strides = array<i32>} : memref<128x128xf32, #tpu.memory_space<vmem>>, vector<1x16xf32>,
        %swap3A_353 = arith.index_cast %add3A_299 : i32 to index
        %swap3A_354 = arith.constant 48 : index
        %swap3A_355 = tpu.vector_load %arg9[%swap3A_353, %swap3A_354] {strides = array<i32>} : memref<128x128xf32, #tpu.memory_space<vmem>>, vector<1x16xf32>,
        %swap3A_356 = vector.shape_cast %swap3A_355 : vector<1x16xf32> to vector<16xf32>
        %swap3A_357 = vector.shape_cast %scan3A_336#3 : vector<16xf32> to vector<1x16xf32>
        tpu.vector_store %arg9[%swap3A_353, %swap3A_354], %swap3A_357 {strides = array<i32>} : memref<128x128xf32, #tpu.memory_space<vmem>>, vector<1x16xf32>,
        %swap3A_358 = arith.index_cast %add3A_299 : i32 to index
        %swap3A_359 = arith.constant 64 : index
        %swap3A_360 = tpu.vector_load %arg9[%swap3A_358, %swap3A_359] {strides = array<i32>} : memref<128x128xf32, #tpu.memory_space<vmem>>, vector<1x16xf32>,
        %swap3A_361 = vector.shape_cast %swap3A_360 : vector<1x16xf32> to vector<16xf32>
        %swap3A_362 = vector.shape_cast %scan3A_336#4 : vector<16xf32> to vector<1x16xf32>
        tpu.vector_store %arg9[%swap3A_358, %swap3A_359], %swap3A_362 {strides = array<i32>} : memref<128x128xf32, #tpu.memory_space<vmem>>, vector<1x16xf32>,
        %swap3A_363 = arith.index_cast %add3A_299 : i32 to index
        %swap3A_364 = arith.constant 80 : index
        %swap3A_365 = tpu.vector_load %arg9[%swap3A_363, %swap3A_364] {strides = array<i32>} : memref<128x128xf32, #tpu.memory_space<vmem>>, vector<1x16xf32>,
        %swap3A_366 = vector.shape_cast %swap3A_365 : vector<1x16xf32> to vector<16xf32>
        %swap3A_367 = vector.shape_cast %scan3A_336#5 : vector<16xf32> to vector<1x16xf32>
        tpu.vector_store %arg9[%swap3A_363, %swap3A_364], %swap3A_367 {strides = array<i32>} : memref<128x128xf32, #tpu.memory_space<vmem>>, vector<1x16xf32>,
        %swap3A_368 = arith.index_cast %add3A_299 : i32 to index
        %swap3A_369 = arith.constant 96 : index
        %swap3A_370 = tpu.vector_load %arg9[%swap3A_368, %swap3A_369] {strides = array<i32>} : memref<128x128xf32, #tpu.memory_space<vmem>>, vector<1x16xf32>,
        %swap3A_371 = vector.shape_cast %swap3A_370 : vector<1x16xf32> to vector<16xf32>
        %swap3A_372 = vector.shape_cast %scan3A_336#6 : vector<16xf32> to vector<1x16xf32>
        tpu.vector_store %arg9[%swap3A_368, %swap3A_369], %swap3A_372 {strides = array<i32>} : memref<128x128xf32, #tpu.memory_space<vmem>>, vector<1x16xf32>,
        %swap3A_373 = arith.index_cast %add3A_299 : i32 to index
        %swap3A_374 = arith.constant 112 : index
        %swap3A_375 = tpu.vector_load %arg9[%swap3A_373, %swap3A_374] {strides = array<i32>} : memref<128x128xf32, #tpu.memory_space<vmem>>, vector<1x16xf32>,
        %swap3A_376 = vector.shape_cast %swap3A_375 : vector<1x16xf32> to vector<16xf32>
        %swap3A_377 = vector.shape_cast %scan3A_336#7 : vector<16xf32> to vector<1x16xf32>
        tpu.vector_store %arg9[%swap3A_373, %swap3A_374], %swap3A_377 {strides = array<i32>} : memref<128x128xf32, #tpu.memory_space<vmem>>, vector<1x16xf32>,
        %mul3A_378 = arith.constant 2 : i32
        %mul3A_379 = arith.muli %mul3A_378, %scan3A_36 : i32
        %add3A_380 = arith.constant 1 : i32
        %add3A_381 = arith.addi %mul3A_379, %add3A_380 : i32
        %lt3A_382 = arith.constant 31 : i32
        %lt3A_383 = arith.cmpi slt, %add3A_381, %lt3A_382 : i32
        %convert_element_type3A_384 = arith.extui %lt3A_383 : i1 to i32
        %cond3A_385 = arith.constant 0 : i32
        %cond3A_386 = arith.cmpi ne, %convert_element_type3A_384, %cond3A_385 : i32
        scf.if %cond3A_386 {
          %add3A_724 = arith.constant 1 : i32
          %add3A_725 = arith.addi %add3A_381, %add3A_724 : i32
          %mul3A_726 = arith.constant 32 : i32
          %mul3A_727 = arith.muli %scan3A_9, %mul3A_726 : i32
          %add3A_728 = arith.addi %mul3A_727, %add3A_725 : i32
          %mul3A_729 = arith.constant 128 : i32
          %mul3A_730 = arith.muli %add3A_728, %mul3A_729 : i32
          %dma_start3A_731 = tpu.memref_slice %arg6[%mul3A_730] : memref<16384xi32, #tpu.memory_space<vmem>> -> memref<128xi32, #tpu.memory_space<vmem>>
          %dma_start3A_732 = arith.constant 0 : i32
          %dma_start3A_733 = arith.constant 0 : i32
          %dma_start3A_734 = tpu.memref_slice %arg2[%dma_start3A_732, %dma_start3A_733] : memref<100000x128xf32, #tpu.memory_space<hbm>> -> memref<100000x128xf32, #tpu.memory_space<hbm>>
          tpu.enqueue_indirect_dma source(%dma_start3A_734 : memref<100000x128xf32, #tpu.memory_space<hbm>>) target(%arg10 : memref<128x128xf32, #tpu.memory_space<vmem>>) offsets(%dma_start3A_731 : memref<128xi32, #tpu.memory_space<vmem>>) semaphore(%arg13 : memref<!tpu.dma_semaphore, #tpu.memory_space<semaphore_mem>>)
        } else {
        }
        %mul3A_387 = arith.constant 32 : i32
        %mul3A_388 = arith.muli %scan3A_9, %mul3A_387 : i32
        %add3A_389 = arith.addi %mul3A_388, %add3A_381 : i32
        %mul3A_390 = arith.constant 128 : i32
        %mul3A_391 = arith.muli %add3A_389, %mul3A_390 : i32
        %dma_wait3A_392 = tpu.memref_slice %arg6[%mul3A_391] : memref<16384xi32, #tpu.memory_space<vmem>> -> memref<128xi32, #tpu.memory_space<vmem>>
        %dma_wait3A_393 = arith.constant 0 : i32
        %dma_wait3A_394 = arith.constant 0 : i32
        %dma_wait3A_395 = tpu.memref_slice %arg2[%dma_wait3A_393, %dma_wait3A_394] : memref<100000x128xf32, #tpu.memory_space<hbm>> -> memref<100000x128xf32, #tpu.memory_space<hbm>>
        tpu.wait_indirect_dma semaphore(%arg14 : memref<!tpu.dma_semaphore, #tpu.memory_space<semaphore_mem>>) src(%dma_wait3A_395 : memref<100000x128xf32, #tpu.memory_space<hbm>>) dst(%arg11 : memref<128x128xf32, #tpu.memory_space<vmem>>)
        %mul3A_396 = arith.constant 4 : i32
        %mul3A_397 = arith.muli %add3A_381, %mul3A_396 : i32
        %add3A_398 = arith.constant 0 : i32
        %add3A_399 = arith.addi %mul3A_397, %add3A_398 : i32
        %get3A_400 = arith.index_cast %add3A_399 : i32 to index
        %get3A_401 = arith.constant 0 : index
        %get3A_402 = tpu.vector_load %arg8[%get3A_400, %get3A_401] {strides = array<i32>} : memref<128x128xf32, #tpu.memory_space<vmem>>, vector<1x16xf32>,
        %get3A_403 = vector.shape_cast %get3A_402 : vector<1x16xf32> to vector<16xf32>
        %get3A_404 = arith.index_cast %add3A_399 : i32 to index
        %get3A_405 = arith.constant 16 : index
        %get3A_406 = tpu.vector_load %arg8[%get3A_404, %get3A_405] {strides = array<i32>} : memref<128x128xf32, #tpu.memory_space<vmem>>, vector<1x16xf32>,
        %get3A_407 = vector.shape_cast %get3A_406 : vector<1x16xf32> to vector<16xf32>
        %get3A_408 = arith.index_cast %add3A_399 : i32 to index
        %get3A_409 = arith.constant 32 : index
        %get3A_410 = tpu.vector_load %arg8[%get3A_408, %get3A_409] {strides = array<i32>} : memref<128x128xf32, #tpu.memory_space<vmem>>, vector<1x16xf32>,
        %get3A_411 = vector.shape_cast %get3A_410 : vector<1x16xf32> to vector<16xf32>
        %get3A_412 = arith.index_cast %add3A_399 : i32 to index
        %get3A_413 = arith.constant 48 : index
        %get3A_414 = tpu.vector_load %arg8[%get3A_412, %get3A_413] {strides = array<i32>} : memref<128x128xf32, #tpu.memory_space<vmem>>, vector<1x16xf32>,
        %get3A_415 = vector.shape_cast %get3A_414 : vector<1x16xf32> to vector<16xf32>
        %get3A_416 = arith.index_cast %add3A_399 : i32 to index
        %get3A_417 = arith.constant 64 : index
        %get3A_418 = tpu.vector_load %arg8[%get3A_416, %get3A_417] {strides = array<i32>} : memref<128x128xf32, #tpu.memory_space<vmem>>, vector<1x16xf32>,
        %get3A_419 = vector.shape_cast %get3A_418 : vector<1x16xf32> to vector<16xf32>
        %get3A_420 = arith.index_cast %add3A_399 : i32 to index
        %get3A_421 = arith.constant 80 : index
        %get3A_422 = tpu.vector_load %arg8[%get3A_420, %get3A_421] {strides = array<i32>} : memref<128x128xf32, #tpu.memory_space<vmem>>, vector<1x16xf32>,
        %get3A_423 = vector.shape_cast %get3A_422 : vector<1x16xf32> to vector<16xf32>
        %get3A_424 = arith.index_cast %add3A_399 : i32 to index
        %get3A_425 = arith.constant 96 : index
        %get3A_426 = tpu.vector_load %arg8[%get3A_424, %get3A_425] {strides = array<i32>} : memref<128x128xf32, #tpu.memory_space<vmem>>, vector<1x16xf32>,
        %get3A_427 = vector.shape_cast %get3A_426 : vector<1x16xf32> to vector<16xf32>
        %get3A_428 = arith.index_cast %add3A_399 : i32 to index
        %get3A_429 = arith.constant 112 : index
        %get3A_430 = tpu.vector_load %arg8[%get3A_428, %get3A_429] {strides = array<i32>} : memref<128x128xf32, #tpu.memory_space<vmem>>, vector<1x16xf32>,
        %get3A_431 = vector.shape_cast %get3A_430 : vector<1x16xf32> to vector<16xf32>
        %scan3A_432 = arith.constant 0 : i32
        %scan3A_433 = arith.constant 32 : i32
        %scan3A_434 = arith.addi %scan3A_432, %scan3A_433 : i32
        %scan3A_435 = arith.constant 1 : i32
        %scan3A_436:8 = scf.for %scan3A_724 = %scan3A_432 to %scan3A_434 step %scan3A_435 iter_args(%scan3A_725 = %get3A_403, %scan3A_726 = %get3A_407, %scan3A_727 = %get3A_411, %scan3A_728 = %get3A_415, %scan3A_729 = %get3A_419, %scan3A_730 = %get3A_423, %scan3A_731 = %get3A_427, %scan3A_732 = %get3A_431) -> (vector<16xf32>, vector<16xf32>, vector<16xf32>, vector<16xf32>, vector<16xf32>, vector<16xf32>, vector<16xf32>, vector<16xf32>)  : i32 {
          %add3A_733 = arith.constant 0 : i32
          %add3A_734 = arith.addi %add3A_733, %scan3A_724 : i32
          %get3A_735 = arith.index_cast %add3A_734 : i32 to index
          %get3A_736 = arith.constant 0 : index
          %get3A_737 = tpu.vector_load %arg11[%get3A_735, %get3A_736] {strides = array<i32>} : memref<128x128xf32, #tpu.memory_space<vmem>>, vector<1x16xf32>,
          %get3A_738 = vector.shape_cast %get3A_737 : vector<1x16xf32> to vector<16xf32>
          %add3A_739 = arith.addf %scan3A_725, %get3A_738 : vector<16xf32>
          %add3A_740 = arith.constant 0 : i32
          %add3A_741 = arith.addi %add3A_740, %scan3A_724 : i32
          %get3A_742 = arith.index_cast %add3A_741 : i32 to index
          %get3A_743 = arith.constant 16 : index
          %get3A_744 = tpu.vector_load %arg11[%get3A_742, %get3A_743] {strides = array<i32>} : memref<128x128xf32, #tpu.memory_space<vmem>>, vector<1x16xf32>,
          %get3A_745 = vector.shape_cast %get3A_744 : vector<1x16xf32> to vector<16xf32>
          %add3A_746 = arith.addf %scan3A_726, %get3A_745 : vector<16xf32>
          %add3A_747 = arith.constant 0 : i32
          %add3A_748 = arith.addi %add3A_747, %scan3A_724 : i32
          %get3A_749 = arith.index_cast %add3A_748 : i32 to index
          %get3A_750 = arith.constant 32 : index
          %get3A_751 = tpu.vector_load %arg11[%get3A_749, %get3A_750] {strides = array<i32>} : memref<128x128xf32, #tpu.memory_space<vmem>>, vector<1x16xf32>,
          %get3A_752 = vector.shape_cast %get3A_751 : vector<1x16xf32> to vector<16xf32>
          %add3A_753 = arith.addf %scan3A_727, %get3A_752 : vector<16xf32>
          %add3A_754 = arith.constant 0 : i32
          %add3A_755 = arith.addi %add3A_754, %scan3A_724 : i32
          %get3A_756 = arith.index_cast %add3A_755 : i32 to index
          %get3A_757 = arith.constant 48 : index
          %get3A_758 = tpu.vector_load %arg11[%get3A_756, %get3A_757] {strides = array<i32>} : memref<128x128xf32, #tpu.memory_space<vmem>>, vector<1x16xf32>,
          %get3A_759 = vector.shape_cast %get3A_758 : vector<1x16xf32> to vector<16xf32>
          %add3A_760 = arith.addf %scan3A_728, %get3A_759 : vector<16xf32>
          %add3A_761 = arith.constant 0 : i32
          %add3A_762 = arith.addi %add3A_761, %scan3A_724 : i32
          %get3A_763 = arith.index_cast %add3A_762 : i32 to index
          %get3A_764 = arith.constant 64 : index
          %get3A_765 = tpu.vector_load %arg11[%get3A_763, %get3A_764] {strides = array<i32>} : memref<128x128xf32, #tpu.memory_space<vmem>>, vector<1x16xf32>,
          %get3A_766 = vector.shape_cast %get3A_765 : vector<1x16xf32> to vector<16xf32>
          %add3A_767 = arith.addf %scan3A_729, %get3A_766 : vector<16xf32>
          %add3A_768 = arith.constant 0 : i32
          %add3A_769 = arith.addi %add3A_768, %scan3A_724 : i32
          %get3A_770 = arith.index_cast %add3A_769 : i32 to index
          %get3A_771 = arith.constant 80 : index
          %get3A_772 = tpu.vector_load %arg11[%get3A_770, %get3A_771] {strides = array<i32>} : memref<128x128xf32, #tpu.memory_space<vmem>>, vector<1x16xf32>,
          %get3A_773 = vector.shape_cast %get3A_772 : vector<1x16xf32> to vector<16xf32>
          %add3A_774 = arith.addf %scan3A_730, %get3A_773 : vector<16xf32>
          %add3A_775 = arith.constant 0 : i32
          %add3A_776 = arith.addi %add3A_775, %scan3A_724 : i32
          %get3A_777 = arith.index_cast %add3A_776 : i32 to index
          %get3A_778 = arith.constant 96 : index
          %get3A_779 = tpu.vector_load %arg11[%get3A_777, %get3A_778] {strides = array<i32>} : memref<128x128xf32, #tpu.memory_space<vmem>>, vector<1x16xf32>,
          %get3A_780 = vector.shape_cast %get3A_779 : vector<1x16xf32> to vector<16xf32>
          %add3A_781 = arith.addf %scan3A_731, %get3A_780 : vector<16xf32>
          %add3A_782 = arith.constant 0 : i32
          %add3A_783 = arith.addi %add3A_782, %scan3A_724 : i32
          %get3A_784 = arith.index_cast %add3A_783 : i32 to index
          %get3A_785 = arith.constant 112 : index
          %get3A_786 = tpu.vector_load %arg11[%get3A_784, %get3A_785] {strides = array<i32>} : memref<128x128xf32, #tpu.memory_space<vmem>>, vector<1x16xf32>,
          %get3A_787 = vector.shape_cast %get3A_786 : vector<1x16xf32> to vector<16xf32>
          %add3A_788 = arith.addf %scan3A_732, %get3A_787 : vector<16xf32>
          scf.yield %add3A_739, %add3A_746, %add3A_753, %add3A_760, %add3A_767, %add3A_774, %add3A_781, %add3A_788 : vector<16xf32>, vector<16xf32>, vector<16xf32>, vector<16xf32>, vector<16xf32>, vector<16xf32>, vector<16xf32>, vector<16xf32>
        }
        %scan3A_437 = arith.constant 32 : i32
        %swap3A_438 = arith.index_cast %add3A_399 : i32 to index
        %swap3A_439 = arith.constant 0 : index
        %swap3A_440 = tpu.vector_load %arg9[%swap3A_438, %swap3A_439] {strides = array<i32>} : memref<128x128xf32, #tpu.memory_space<vmem>>, vector<1x16xf32>,
        %swap3A_441 = vector.shape_cast %swap3A_440 : vector<1x16xf32> to vector<16xf32>
        %swap3A_442 = vector.shape_cast %scan3A_436#0 : vector<16xf32> to vector<1x16xf32>
        tpu.vector_store %arg9[%swap3A_438, %swap3A_439], %swap3A_442 {strides = array<i32>} : memref<128x128xf32, #tpu.memory_space<vmem>>, vector<1x16xf32>,
        %swap3A_443 = arith.index_cast %add3A_399 : i32 to index
        %swap3A_444 = arith.constant 16 : index
        %swap3A_445 = tpu.vector_load %arg9[%swap3A_443, %swap3A_444] {strides = array<i32>} : memref<128x128xf32, #tpu.memory_space<vmem>>, vector<1x16xf32>,
        %swap3A_446 = vector.shape_cast %swap3A_445 : vector<1x16xf32> to vector<16xf32>
        %swap3A_447 = vector.shape_cast %scan3A_436#1 : vector<16xf32> to vector<1x16xf32>
        tpu.vector_store %arg9[%swap3A_443, %swap3A_444], %swap3A_447 {strides = array<i32>} : memref<128x128xf32, #tpu.memory_space<vmem>>, vector<1x16xf32>,
        %swap3A_448 = arith.index_cast %add3A_399 : i32 to index
        %swap3A_449 = arith.constant 32 : index
        %swap3A_450 = tpu.vector_load %arg9[%swap3A_448, %swap3A_449] {strides = array<i32>} : memref<128x128xf32, #tpu.memory_space<vmem>>, vector<1x16xf32>,
        %swap3A_451 = vector.shape_cast %swap3A_450 : vector<1x16xf32> to vector<16xf32>
        %swap3A_452 = vector.shape_cast %scan3A_436#2 : vector<16xf32> to vector<1x16xf32>
        tpu.vector_store %arg9[%swap3A_448, %swap3A_449], %swap3A_452 {strides = array<i32>} : memref<128x128xf32, #tpu.memory_space<vmem>>, vector<1x16xf32>,
        %swap3A_453 = arith.index_cast %add3A_399 : i32 to index
        %swap3A_454 = arith.constant 48 : index
        %swap3A_455 = tpu.vector_load %arg9[%swap3A_453, %swap3A_454] {strides = array<i32>} : memref<128x128xf32, #tpu.memory_space<vmem>>, vector<1x16xf32>,
        %swap3A_456 = vector.shape_cast %swap3A_455 : vector<1x16xf32> to vector<16xf32>
        %swap3A_457 = vector.shape_cast %scan3A_436#3 : vector<16xf32> to vector<1x16xf32>
        tpu.vector_store %arg9[%swap3A_453, %swap3A_454], %swap3A_457 {strides = array<i32>} : memref<128x128xf32, #tpu.memory_space<vmem>>, vector<1x16xf32>,
        %swap3A_458 = arith.index_cast %add3A_399 : i32 to index
        %swap3A_459 = arith.constant 64 : index
        %swap3A_460 = tpu.vector_load %arg9[%swap3A_458, %swap3A_459] {strides = array<i32>} : memref<128x128xf32, #tpu.memory_space<vmem>>, vector<1x16xf32>,
        %swap3A_461 = vector.shape_cast %swap3A_460 : vector<1x16xf32> to vector<16xf32>
        %swap3A_462 = vector.shape_cast %scan3A_436#4 : vector<16xf32> to vector<1x16xf32>
        tpu.vector_store %arg9[%swap3A_458, %swap3A_459], %swap3A_462 {strides = array<i32>} : memref<128x128xf32, #tpu.memory_space<vmem>>, vector<1x16xf32>,
        %swap3A_463 = arith.index_cast %add3A_399 : i32 to index
        %swap3A_464 = arith.constant 80 : index
        %swap3A_465 = tpu.vector_load %arg9[%swap3A_463, %swap3A_464] {strides = array<i32>} : memref<128x128xf32, #tpu.memory_space<vmem>>, vector<1x16xf32>,
        %swap3A_466 = vector.shape_cast %swap3A_465 : vector<1x16xf32> to vector<16xf32>
        %swap3A_467 = vector.shape_cast %scan3A_436#5 : vector<16xf32> to vector<1x16xf32>
        tpu.vector_store %arg9[%swap3A_463, %swap3A_464], %swap3A_467 {strides = array<i32>} : memref<128x128xf32, #tpu.memory_space<vmem>>, vector<1x16xf32>,
        %swap3A_468 = arith.index_cast %add3A_399 : i32 to index
        %swap3A_469 = arith.constant 96 : index
        %swap3A_470 = tpu.vector_load %arg9[%swap3A_468, %swap3A_469] {strides = array<i32>} : memref<128x128xf32, #tpu.memory_space<vmem>>, vector<1x16xf32>,
        %swap3A_471 = vector.shape_cast %swap3A_470 : vector<1x16xf32> to vector<16xf32>
        %swap3A_472 = vector.shape_cast %scan3A_436#6 : vector<16xf32> to vector<1x16xf32>
        tpu.vector_store %arg9[%swap3A_468, %swap3A_469], %swap3A_472 {strides = array<i32>} : memref<128x128xf32, #tpu.memory_space<vmem>>, vector<1x16xf32>,
        %swap3A_473 = arith.index_cast %add3A_399 : i32 to index
        %swap3A_474 = arith.constant 112 : index
        %swap3A_475 = tpu.vector_load %arg9[%swap3A_473, %swap3A_474] {strides = array<i32>} : memref<128x128xf32, #tpu.memory_space<vmem>>, vector<1x16xf32>,
        %swap3A_476 = vector.shape_cast %swap3A_475 : vector<1x16xf32> to vector<16xf32>
        %swap3A_477 = vector.shape_cast %scan3A_436#7 : vector<16xf32> to vector<1x16xf32>
        tpu.vector_store %arg9[%swap3A_473, %swap3A_474], %swap3A_477 {strides = array<i32>} : memref<128x128xf32, #tpu.memory_space<vmem>>, vector<1x16xf32>,
        %mul3A_478 = arith.constant 4 : i32
        %mul3A_479 = arith.muli %add3A_381, %mul3A_478 : i32
        %add3A_480 = arith.constant 1 : i32
        %add3A_481 = arith.addi %mul3A_479, %add3A_480 : i32
        %get3A_482 = arith.index_cast %add3A_481 : i32 to index
        %get3A_483 = arith.constant 0 : index
        %get3A_484 = tpu.vector_load %arg8[%get3A_482, %get3A_483] {strides = array<i32>} : memref<128x128xf32, #tpu.memory_space<vmem>>, vector<1x16xf32>,
        %get3A_485 = vector.shape_cast %get3A_484 : vector<1x16xf32> to vector<16xf32>
        %get3A_486 = arith.index_cast %add3A_481 : i32 to index
        %get3A_487 = arith.constant 16 : index
        %get3A_488 = tpu.vector_load %arg8[%get3A_486, %get3A_487] {strides = array<i32>} : memref<128x128xf32, #tpu.memory_space<vmem>>, vector<1x16xf32>,
        %get3A_489 = vector.shape_cast %get3A_488 : vector<1x16xf32> to vector<16xf32>
        %get3A_490 = arith.index_cast %add3A_481 : i32 to index
        %get3A_491 = arith.constant 32 : index
        %get3A_492 = tpu.vector_load %arg8[%get3A_490, %get3A_491] {strides = array<i32>} : memref<128x128xf32, #tpu.memory_space<vmem>>, vector<1x16xf32>,
        %get3A_493 = vector.shape_cast %get3A_492 : vector<1x16xf32> to vector<16xf32>
        %get3A_494 = arith.index_cast %add3A_481 : i32 to index
        %get3A_495 = arith.constant 48 : index
        %get3A_496 = tpu.vector_load %arg8[%get3A_494, %get3A_495] {strides = array<i32>} : memref<128x128xf32, #tpu.memory_space<vmem>>, vector<1x16xf32>,
        %get3A_497 = vector.shape_cast %get3A_496 : vector<1x16xf32> to vector<16xf32>
        %get3A_498 = arith.index_cast %add3A_481 : i32 to index
        %get3A_499 = arith.constant 64 : index
        %get3A_500 = tpu.vector_load %arg8[%get3A_498, %get3A_499] {strides = array<i32>} : memref<128x128xf32, #tpu.memory_space<vmem>>, vector<1x16xf32>,
        %get3A_501 = vector.shape_cast %get3A_500 : vector<1x16xf32> to vector<16xf32>
        %get3A_502 = arith.index_cast %add3A_481 : i32 to index
        %get3A_503 = arith.constant 80 : index
        %get3A_504 = tpu.vector_load %arg8[%get3A_502, %get3A_503] {strides = array<i32>} : memref<128x128xf32, #tpu.memory_space<vmem>>, vector<1x16xf32>,
        %get3A_505 = vector.shape_cast %get3A_504 : vector<1x16xf32> to vector<16xf32>
        %get3A_506 = arith.index_cast %add3A_481 : i32 to index
        %get3A_507 = arith.constant 96 : index
        %get3A_508 = tpu.vector_load %arg8[%get3A_506, %get3A_507] {strides = array<i32>} : memref<128x128xf32, #tpu.memory_space<vmem>>, vector<1x16xf32>,
        %get3A_509 = vector.shape_cast %get3A_508 : vector<1x16xf32> to vector<16xf32>
        %get3A_510 = arith.index_cast %add3A_481 : i32 to index
        %get3A_511 = arith.constant 112 : index
        %get3A_512 = tpu.vector_load %arg8[%get3A_510, %get3A_511] {strides = array<i32>} : memref<128x128xf32, #tpu.memory_space<vmem>>, vector<1x16xf32>,
        %get3A_513 = vector.shape_cast %get3A_512 : vector<1x16xf32> to vector<16xf32>
        %scan3A_514 = arith.constant 0 : i32
        %scan3A_515 = arith.constant 32 : i32
        %scan3A_516 = arith.addi %scan3A_514, %scan3A_515 : i32
        %scan3A_517 = arith.constant 1 : i32
        %scan3A_518:8 = scf.for %scan3A_724 = %scan3A_514 to %scan3A_516 step %scan3A_517 iter_args(%scan3A_725 = %get3A_485, %scan3A_726 = %get3A_489, %scan3A_727 = %get3A_493, %scan3A_728 = %get3A_497, %scan3A_729 = %get3A_501, %scan3A_730 = %get3A_505, %scan3A_731 = %get3A_509, %scan3A_732 = %get3A_513) -> (vector<16xf32>, vector<16xf32>, vector<16xf32>, vector<16xf32>, vector<16xf32>, vector<16xf32>, vector<16xf32>, vector<16xf32>)  : i32 {
          %add3A_733 = arith.constant 32 : i32
          %add3A_734 = arith.addi %add3A_733, %scan3A_724 : i32
          %get3A_735 = arith.index_cast %add3A_734 : i32 to index
          %get3A_736 = arith.constant 0 : index
          %get3A_737 = tpu.vector_load %arg11[%get3A_735, %get3A_736] {strides = array<i32>} : memref<128x128xf32, #tpu.memory_space<vmem>>, vector<1x16xf32>,
          %get3A_738 = vector.shape_cast %get3A_737 : vector<1x16xf32> to vector<16xf32>
          %add3A_739 = arith.addf %scan3A_725, %get3A_738 : vector<16xf32>
          %add3A_740 = arith.constant 32 : i32
          %add3A_741 = arith.addi %add3A_740, %scan3A_724 : i32
          %get3A_742 = arith.index_cast %add3A_741 : i32 to index
          %get3A_743 = arith.constant 16 : index
          %get3A_744 = tpu.vector_load %arg11[%get3A_742, %get3A_743] {strides = array<i32>} : memref<128x128xf32, #tpu.memory_space<vmem>>, vector<1x16xf32>,
          %get3A_745 = vector.shape_cast %get3A_744 : vector<1x16xf32> to vector<16xf32>
          %add3A_746 = arith.addf %scan3A_726, %get3A_745 : vector<16xf32>
          %add3A_747 = arith.constant 32 : i32
          %add3A_748 = arith.addi %add3A_747, %scan3A_724 : i32
          %get3A_749 = arith.index_cast %add3A_748 : i32 to index
          %get3A_750 = arith.constant 32 : index
          %get3A_751 = tpu.vector_load %arg11[%get3A_749, %get3A_750] {strides = array<i32>} : memref<128x128xf32, #tpu.memory_space<vmem>>, vector<1x16xf32>,
          %get3A_752 = vector.shape_cast %get3A_751 : vector<1x16xf32> to vector<16xf32>
          %add3A_753 = arith.addf %scan3A_727, %get3A_752 : vector<16xf32>
          %add3A_754 = arith.constant 32 : i32
          %add3A_755 = arith.addi %add3A_754, %scan3A_724 : i32
          %get3A_756 = arith.index_cast %add3A_755 : i32 to index
          %get3A_757 = arith.constant 48 : index
          %get3A_758 = tpu.vector_load %arg11[%get3A_756, %get3A_757] {strides = array<i32>} : memref<128x128xf32, #tpu.memory_space<vmem>>, vector<1x16xf32>,
          %get3A_759 = vector.shape_cast %get3A_758 : vector<1x16xf32> to vector<16xf32>
          %add3A_760 = arith.addf %scan3A_728, %get3A_759 : vector<16xf32>
          %add3A_761 = arith.constant 32 : i32
          %add3A_762 = arith.addi %add3A_761, %scan3A_724 : i32
          %get3A_763 = arith.index_cast %add3A_762 : i32 to index
          %get3A_764 = arith.constant 64 : index
          %get3A_765 = tpu.vector_load %arg11[%get3A_763, %get3A_764] {strides = array<i32>} : memref<128x128xf32, #tpu.memory_space<vmem>>, vector<1x16xf32>,
          %get3A_766 = vector.shape_cast %get3A_765 : vector<1x16xf32> to vector<16xf32>
          %add3A_767 = arith.addf %scan3A_729, %get3A_766 : vector<16xf32>
          %add3A_768 = arith.constant 32 : i32
          %add3A_769 = arith.addi %add3A_768, %scan3A_724 : i32
          %get3A_770 = arith.index_cast %add3A_769 : i32 to index
          %get3A_771 = arith.constant 80 : index
          %get3A_772 = tpu.vector_load %arg11[%get3A_770, %get3A_771] {strides = array<i32>} : memref<128x128xf32, #tpu.memory_space<vmem>>, vector<1x16xf32>,
          %get3A_773 = vector.shape_cast %get3A_772 : vector<1x16xf32> to vector<16xf32>
          %add3A_774 = arith.addf %scan3A_730, %get3A_773 : vector<16xf32>
          %add3A_775 = arith.constant 32 : i32
          %add3A_776 = arith.addi %add3A_775, %scan3A_724 : i32
          %get3A_777 = arith.index_cast %add3A_776 : i32 to index
          %get3A_778 = arith.constant 96 : index
          %get3A_779 = tpu.vector_load %arg11[%get3A_777, %get3A_778] {strides = array<i32>} : memref<128x128xf32, #tpu.memory_space<vmem>>, vector<1x16xf32>,
          %get3A_780 = vector.shape_cast %get3A_779 : vector<1x16xf32> to vector<16xf32>
          %add3A_781 = arith.addf %scan3A_731, %get3A_780 : vector<16xf32>
          %add3A_782 = arith.constant 32 : i32
          %add3A_783 = arith.addi %add3A_782, %scan3A_724 : i32
          %get3A_784 = arith.index_cast %add3A_783 : i32 to index
          %get3A_785 = arith.constant 112 : index
          %get3A_786 = tpu.vector_load %arg11[%get3A_784, %get3A_785] {strides = array<i32>} : memref<128x128xf32, #tpu.memory_space<vmem>>, vector<1x16xf32>,
          %get3A_787 = vector.shape_cast %get3A_786 : vector<1x16xf32> to vector<16xf32>
          %add3A_788 = arith.addf %scan3A_732, %get3A_787 : vector<16xf32>
          scf.yield %add3A_739, %add3A_746, %add3A_753, %add3A_760, %add3A_767, %add3A_774, %add3A_781, %add3A_788 : vector<16xf32>, vector<16xf32>, vector<16xf32>, vector<16xf32>, vector<16xf32>, vector<16xf32>, vector<16xf32>, vector<16xf32>
        }
        %scan3A_519 = arith.constant 32 : i32
        %swap3A_520 = arith.index_cast %add3A_481 : i32 to index
        %swap3A_521 = arith.constant 0 : index
        %swap3A_522 = tpu.vector_load %arg9[%swap3A_520, %swap3A_521] {strides = array<i32>} : memref<128x128xf32, #tpu.memory_space<vmem>>, vector<1x16xf32>,
        %swap3A_523 = vector.shape_cast %swap3A_522 : vector<1x16xf32> to vector<16xf32>
        %swap3A_524 = vector.shape_cast %scan3A_518#0 : vector<16xf32> to vector<1x16xf32>
        tpu.vector_store %arg9[%swap3A_520, %swap3A_521], %swap3A_524 {strides = array<i32>} : memref<128x128xf32, #tpu.memory_space<vmem>>, vector<1x16xf32>,
        %swap3A_525 = arith.index_cast %add3A_481 : i32 to index
        %swap3A_526 = arith.constant 16 : index
        %swap3A_527 = tpu.vector_load %arg9[%swap3A_525, %swap3A_526] {strides = array<i32>} : memref<128x128xf32, #tpu.memory_space<vmem>>, vector<1x16xf32>,
        %swap3A_528 = vector.shape_cast %swap3A_527 : vector<1x16xf32> to vector<16xf32>
        %swap3A_529 = vector.shape_cast %scan3A_518#1 : vector<16xf32> to vector<1x16xf32>
        tpu.vector_store %arg9[%swap3A_525, %swap3A_526], %swap3A_529 {strides = array<i32>} : memref<128x128xf32, #tpu.memory_space<vmem>>, vector<1x16xf32>,
        %swap3A_530 = arith.index_cast %add3A_481 : i32 to index
        %swap3A_531 = arith.constant 32 : index
        %swap3A_532 = tpu.vector_load %arg9[%swap3A_530, %swap3A_531] {strides = array<i32>} : memref<128x128xf32, #tpu.memory_space<vmem>>, vector<1x16xf32>,
        %swap3A_533 = vector.shape_cast %swap3A_532 : vector<1x16xf32> to vector<16xf32>
        %swap3A_534 = vector.shape_cast %scan3A_518#2 : vector<16xf32> to vector<1x16xf32>
        tpu.vector_store %arg9[%swap3A_530, %swap3A_531], %swap3A_534 {strides = array<i32>} : memref<128x128xf32, #tpu.memory_space<vmem>>, vector<1x16xf32>,
        %swap3A_535 = arith.index_cast %add3A_481 : i32 to index
        %swap3A_536 = arith.constant 48 : index
        %swap3A_537 = tpu.vector_load %arg9[%swap3A_535, %swap3A_536] {strides = array<i32>} : memref<128x128xf32, #tpu.memory_space<vmem>>, vector<1x16xf32>,
        %swap3A_538 = vector.shape_cast %swap3A_537 : vector<1x16xf32> to vector<16xf32>
        %swap3A_539 = vector.shape_cast %scan3A_518#3 : vector<16xf32> to vector<1x16xf32>
        tpu.vector_store %arg9[%swap3A_535, %swap3A_536], %swap3A_539 {strides = array<i32>} : memref<128x128xf32, #tpu.memory_space<vmem>>, vector<1x16xf32>,
        %swap3A_540 = arith.index_cast %add3A_481 : i32 to index
        %swap3A_541 = arith.constant 64 : index
        %swap3A_542 = tpu.vector_load %arg9[%swap3A_540, %swap3A_541] {strides = array<i32>} : memref<128x128xf32, #tpu.memory_space<vmem>>, vector<1x16xf32>,
        %swap3A_543 = vector.shape_cast %swap3A_542 : vector<1x16xf32> to vector<16xf32>
        %swap3A_544 = vector.shape_cast %scan3A_518#4 : vector<16xf32> to vector<1x16xf32>
        tpu.vector_store %arg9[%swap3A_540, %swap3A_541], %swap3A_544 {strides = array<i32>} : memref<128x128xf32, #tpu.memory_space<vmem>>, vector<1x16xf32>,
        %swap3A_545 = arith.index_cast %add3A_481 : i32 to index
        %swap3A_546 = arith.constant 80 : index
        %swap3A_547 = tpu.vector_load %arg9[%swap3A_545, %swap3A_546] {strides = array<i32>} : memref<128x128xf32, #tpu.memory_space<vmem>>, vector<1x16xf32>,
        %swap3A_548 = vector.shape_cast %swap3A_547 : vector<1x16xf32> to vector<16xf32>
        %swap3A_549 = vector.shape_cast %scan3A_518#5 : vector<16xf32> to vector<1x16xf32>
        tpu.vector_store %arg9[%swap3A_545, %swap3A_546], %swap3A_549 {strides = array<i32>} : memref<128x128xf32, #tpu.memory_space<vmem>>, vector<1x16xf32>,
        %swap3A_550 = arith.index_cast %add3A_481 : i32 to index
        %swap3A_551 = arith.constant 96 : index
        %swap3A_552 = tpu.vector_load %arg9[%swap3A_550, %swap3A_551] {strides = array<i32>} : memref<128x128xf32, #tpu.memory_space<vmem>>, vector<1x16xf32>,
        %swap3A_553 = vector.shape_cast %swap3A_552 : vector<1x16xf32> to vector<16xf32>
        %swap3A_554 = vector.shape_cast %scan3A_518#6 : vector<16xf32> to vector<1x16xf32>
        tpu.vector_store %arg9[%swap3A_550, %swap3A_551], %swap3A_554 {strides = array<i32>} : memref<128x128xf32, #tpu.memory_space<vmem>>, vector<1x16xf32>,
        %swap3A_555 = arith.index_cast %add3A_481 : i32 to index
        %swap3A_556 = arith.constant 112 : index
        %swap3A_557 = tpu.vector_load %arg9[%swap3A_555, %swap3A_556] {strides = array<i32>} : memref<128x128xf32, #tpu.memory_space<vmem>>, vector<1x16xf32>,
        %swap3A_558 = vector.shape_cast %swap3A_557 : vector<1x16xf32> to vector<16xf32>
        %swap3A_559 = vector.shape_cast %scan3A_518#7 : vector<16xf32> to vector<1x16xf32>
        tpu.vector_store %arg9[%swap3A_555, %swap3A_556], %swap3A_559 {strides = array<i32>} : memref<128x128xf32, #tpu.memory_space<vmem>>, vector<1x16xf32>,
        %mul3A_560 = arith.constant 4 : i32
        %mul3A_561 = arith.muli %add3A_381, %mul3A_560 : i32
        %add3A_562 = arith.constant 2 : i32
        %add3A_563 = arith.addi %mul3A_561, %add3A_562 : i32
        %get3A_564 = arith.index_cast %add3A_563 : i32 to index
        %get3A_565 = arith.constant 0 : index
        %get3A_566 = tpu.vector_load %arg8[%get3A_564, %get3A_565] {strides = array<i32>} : memref<128x128xf32, #tpu.memory_space<vmem>>, vector<1x16xf32>,
        %get3A_567 = vector.shape_cast %get3A_566 : vector<1x16xf32> to vector<16xf32>
        %get3A_568 = arith.index_cast %add3A_563 : i32 to index
        %get3A_569 = arith.constant 16 : index
        %get3A_570 = tpu.vector_load %arg8[%get3A_568, %get3A_569] {strides = array<i32>} : memref<128x128xf32, #tpu.memory_space<vmem>>, vector<1x16xf32>,
        %get3A_571 = vector.shape_cast %get3A_570 : vector<1x16xf32> to vector<16xf32>
        %get3A_572 = arith.index_cast %add3A_563 : i32 to index
        %get3A_573 = arith.constant 32 : index
        %get3A_574 = tpu.vector_load %arg8[%get3A_572, %get3A_573] {strides = array<i32>} : memref<128x128xf32, #tpu.memory_space<vmem>>, vector<1x16xf32>,
        %get3A_575 = vector.shape_cast %get3A_574 : vector<1x16xf32> to vector<16xf32>
        %get3A_576 = arith.index_cast %add3A_563 : i32 to index
        %get3A_577 = arith.constant 48 : index
        %get3A_578 = tpu.vector_load %arg8[%get3A_576, %get3A_577] {strides = array<i32>} : memref<128x128xf32, #tpu.memory_space<vmem>>, vector<1x16xf32>,
        %get3A_579 = vector.shape_cast %get3A_578 : vector<1x16xf32> to vector<16xf32>
        %get3A_580 = arith.index_cast %add3A_563 : i32 to index
        %get3A_581 = arith.constant 64 : index
        %get3A_582 = tpu.vector_load %arg8[%get3A_580, %get3A_581] {strides = array<i32>} : memref<128x128xf32, #tpu.memory_space<vmem>>, vector<1x16xf32>,
        %get3A_583 = vector.shape_cast %get3A_582 : vector<1x16xf32> to vector<16xf32>
        %get3A_584 = arith.index_cast %add3A_563 : i32 to index
        %get3A_585 = arith.constant 80 : index
        %get3A_586 = tpu.vector_load %arg8[%get3A_584, %get3A_585] {strides = array<i32>} : memref<128x128xf32, #tpu.memory_space<vmem>>, vector<1x16xf32>,
        %get3A_587 = vector.shape_cast %get3A_586 : vector<1x16xf32> to vector<16xf32>
        %get3A_588 = arith.index_cast %add3A_563 : i32 to index
        %get3A_589 = arith.constant 96 : index
        %get3A_590 = tpu.vector_load %arg8[%get3A_588, %get3A_589] {strides = array<i32>} : memref<128x128xf32, #tpu.memory_space<vmem>>, vector<1x16xf32>,
        %get3A_591 = vector.shape_cast %get3A_590 : vector<1x16xf32> to vector<16xf32>
        %get3A_592 = arith.index_cast %add3A_563 : i32 to index
        %get3A_593 = arith.constant 112 : index
        %get3A_594 = tpu.vector_load %arg8[%get3A_592, %get3A_593] {strides = array<i32>} : memref<128x128xf32, #tpu.memory_space<vmem>>, vector<1x16xf32>,
        %get3A_595 = vector.shape_cast %get3A_594 : vector<1x16xf32> to vector<16xf32>
        %scan3A_596 = arith.constant 0 : i32
        %scan3A_597 = arith.constant 32 : i32
        %scan3A_598 = arith.addi %scan3A_596, %scan3A_597 : i32
        %scan3A_599 = arith.constant 1 : i32
        %scan3A_600:8 = scf.for %scan3A_724 = %scan3A_596 to %scan3A_598 step %scan3A_599 iter_args(%scan3A_725 = %get3A_567, %scan3A_726 = %get3A_571, %scan3A_727 = %get3A_575, %scan3A_728 = %get3A_579, %scan3A_729 = %get3A_583, %scan3A_730 = %get3A_587, %scan3A_731 = %get3A_591, %scan3A_732 = %get3A_595) -> (vector<16xf32>, vector<16xf32>, vector<16xf32>, vector<16xf32>, vector<16xf32>, vector<16xf32>, vector<16xf32>, vector<16xf32>)  : i32 {
          %add3A_733 = arith.constant 64 : i32
          %add3A_734 = arith.addi %add3A_733, %scan3A_724 : i32
          %get3A_735 = arith.index_cast %add3A_734 : i32 to index
          %get3A_736 = arith.constant 0 : index
          %get3A_737 = tpu.vector_load %arg11[%get3A_735, %get3A_736] {strides = array<i32>} : memref<128x128xf32, #tpu.memory_space<vmem>>, vector<1x16xf32>,
          %get3A_738 = vector.shape_cast %get3A_737 : vector<1x16xf32> to vector<16xf32>
          %add3A_739 = arith.addf %scan3A_725, %get3A_738 : vector<16xf32>
          %add3A_740 = arith.constant 64 : i32
          %add3A_741 = arith.addi %add3A_740, %scan3A_724 : i32
          %get3A_742 = arith.index_cast %add3A_741 : i32 to index
          %get3A_743 = arith.constant 16 : index
          %get3A_744 = tpu.vector_load %arg11[%get3A_742, %get3A_743] {strides = array<i32>} : memref<128x128xf32, #tpu.memory_space<vmem>>, vector<1x16xf32>,
          %get3A_745 = vector.shape_cast %get3A_744 : vector<1x16xf32> to vector<16xf32>
          %add3A_746 = arith.addf %scan3A_726, %get3A_745 : vector<16xf32>
          %add3A_747 = arith.constant 64 : i32
          %add3A_748 = arith.addi %add3A_747, %scan3A_724 : i32
          %get3A_749 = arith.index_cast %add3A_748 : i32 to index
          %get3A_750 = arith.constant 32 : index
          %get3A_751 = tpu.vector_load %arg11[%get3A_749, %get3A_750] {strides = array<i32>} : memref<128x128xf32, #tpu.memory_space<vmem>>, vector<1x16xf32>,
          %get3A_752 = vector.shape_cast %get3A_751 : vector<1x16xf32> to vector<16xf32>
          %add3A_753 = arith.addf %scan3A_727, %get3A_752 : vector<16xf32>
          %add3A_754 = arith.constant 64 : i32
          %add3A_755 = arith.addi %add3A_754, %scan3A_724 : i32
          %get3A_756 = arith.index_cast %add3A_755 : i32 to index
          %get3A_757 = arith.constant 48 : index
          %get3A_758 = tpu.vector_load %arg11[%get3A_756, %get3A_757] {strides = array<i32>} : memref<128x128xf32, #tpu.memory_space<vmem>>, vector<1x16xf32>,
          %get3A_759 = vector.shape_cast %get3A_758 : vector<1x16xf32> to vector<16xf32>
          %add3A_760 = arith.addf %scan3A_728, %get3A_759 : vector<16xf32>
          %add3A_761 = arith.constant 64 : i32
          %add3A_762 = arith.addi %add3A_761, %scan3A_724 : i32
          %get3A_763 = arith.index_cast %add3A_762 : i32 to index
          %get3A_764 = arith.constant 64 : index
          %get3A_765 = tpu.vector_load %arg11[%get3A_763, %get3A_764] {strides = array<i32>} : memref<128x128xf32, #tpu.memory_space<vmem>>, vector<1x16xf32>,
          %get3A_766 = vector.shape_cast %get3A_765 : vector<1x16xf32> to vector<16xf32>
          %add3A_767 = arith.addf %scan3A_729, %get3A_766 : vector<16xf32>
          %add3A_768 = arith.constant 64 : i32
          %add3A_769 = arith.addi %add3A_768, %scan3A_724 : i32
          %get3A_770 = arith.index_cast %add3A_769 : i32 to index
          %get3A_771 = arith.constant 80 : index
          %get3A_772 = tpu.vector_load %arg11[%get3A_770, %get3A_771] {strides = array<i32>} : memref<128x128xf32, #tpu.memory_space<vmem>>, vector<1x16xf32>,
          %get3A_773 = vector.shape_cast %get3A_772 : vector<1x16xf32> to vector<16xf32>
          %add3A_774 = arith.addf %scan3A_730, %get3A_773 : vector<16xf32>
          %add3A_775 = arith.constant 64 : i32
          %add3A_776 = arith.addi %add3A_775, %scan3A_724 : i32
          %get3A_777 = arith.index_cast %add3A_776 : i32 to index
          %get3A_778 = arith.constant 96 : index
          %get3A_779 = tpu.vector_load %arg11[%get3A_777, %get3A_778] {strides = array<i32>} : memref<128x128xf32, #tpu.memory_space<vmem>>, vector<1x16xf32>,
          %get3A_780 = vector.shape_cast %get3A_779 : vector<1x16xf32> to vector<16xf32>
          %add3A_781 = arith.addf %scan3A_731, %get3A_780 : vector<16xf32>
          %add3A_782 = arith.constant 64 : i32
          %add3A_783 = arith.addi %add3A_782, %scan3A_724 : i32
          %get3A_784 = arith.index_cast %add3A_783 : i32 to index
          %get3A_785 = arith.constant 112 : index
          %get3A_786 = tpu.vector_load %arg11[%get3A_784, %get3A_785] {strides = array<i32>} : memref<128x128xf32, #tpu.memory_space<vmem>>, vector<1x16xf32>,
          %get3A_787 = vector.shape_cast %get3A_786 : vector<1x16xf32> to vector<16xf32>
          %add3A_788 = arith.addf %scan3A_732, %get3A_787 : vector<16xf32>
          scf.yield %add3A_739, %add3A_746, %add3A_753, %add3A_760, %add3A_767, %add3A_774, %add3A_781, %add3A_788 : vector<16xf32>, vector<16xf32>, vector<16xf32>, vector<16xf32>, vector<16xf32>, vector<16xf32>, vector<16xf32>, vector<16xf32>
        }
        %scan3A_601 = arith.constant 32 : i32
        %swap3A_602 = arith.index_cast %add3A_563 : i32 to index
        %swap3A_603 = arith.constant 0 : index
        %swap3A_604 = tpu.vector_load %arg9[%swap3A_602, %swap3A_603] {strides = array<i32>} : memref<128x128xf32, #tpu.memory_space<vmem>>, vector<1x16xf32>,
        %swap3A_605 = vector.shape_cast %swap3A_604 : vector<1x16xf32> to vector<16xf32>
        %swap3A_606 = vector.shape_cast %scan3A_600#0 : vector<16xf32> to vector<1x16xf32>
        tpu.vector_store %arg9[%swap3A_602, %swap3A_603], %swap3A_606 {strides = array<i32>} : memref<128x128xf32, #tpu.memory_space<vmem>>, vector<1x16xf32>,
        %swap3A_607 = arith.index_cast %add3A_563 : i32 to index
        %swap3A_608 = arith.constant 16 : index
        %swap3A_609 = tpu.vector_load %arg9[%swap3A_607, %swap3A_608] {strides = array<i32>} : memref<128x128xf32, #tpu.memory_space<vmem>>, vector<1x16xf32>,
        %swap3A_610 = vector.shape_cast %swap3A_609 : vector<1x16xf32> to vector<16xf32>
        %swap3A_611 = vector.shape_cast %scan3A_600#1 : vector<16xf32> to vector<1x16xf32>
        tpu.vector_store %arg9[%swap3A_607, %swap3A_608], %swap3A_611 {strides = array<i32>} : memref<128x128xf32, #tpu.memory_space<vmem>>, vector<1x16xf32>,
        %swap3A_612 = arith.index_cast %add3A_563 : i32 to index
        %swap3A_613 = arith.constant 32 : index
        %swap3A_614 = tpu.vector_load %arg9[%swap3A_612, %swap3A_613] {strides = array<i32>} : memref<128x128xf32, #tpu.memory_space<vmem>>, vector<1x16xf32>,
        %swap3A_615 = vector.shape_cast %swap3A_614 : vector<1x16xf32> to vector<16xf32>
        %swap3A_616 = vector.shape_cast %scan3A_600#2 : vector<16xf32> to vector<1x16xf32>
        tpu.vector_store %arg9[%swap3A_612, %swap3A_613], %swap3A_616 {strides = array<i32>} : memref<128x128xf32, #tpu.memory_space<vmem>>, vector<1x16xf32>,
        %swap3A_617 = arith.index_cast %add3A_563 : i32 to index
        %swap3A_618 = arith.constant 48 : index
        %swap3A_619 = tpu.vector_load %arg9[%swap3A_617, %swap3A_618] {strides = array<i32>} : memref<128x128xf32, #tpu.memory_space<vmem>>, vector<1x16xf32>,
        %swap3A_620 = vector.shape_cast %swap3A_619 : vector<1x16xf32> to vector<16xf32>
        %swap3A_621 = vector.shape_cast %scan3A_600#3 : vector<16xf32> to vector<1x16xf32>
        tpu.vector_store %arg9[%swap3A_617, %swap3A_618], %swap3A_621 {strides = array<i32>} : memref<128x128xf32, #tpu.memory_space<vmem>>, vector<1x16xf32>,
        %swap3A_622 = arith.index_cast %add3A_563 : i32 to index
        %swap3A_623 = arith.constant 64 : index
        %swap3A_624 = tpu.vector_load %arg9[%swap3A_622, %swap3A_623] {strides = array<i32>} : memref<128x128xf32, #tpu.memory_space<vmem>>, vector<1x16xf32>,
        %swap3A_625 = vector.shape_cast %swap3A_624 : vector<1x16xf32> to vector<16xf32>
        %swap3A_626 = vector.shape_cast %scan3A_600#4 : vector<16xf32> to vector<1x16xf32>
        tpu.vector_store %arg9[%swap3A_622, %swap3A_623], %swap3A_626 {strides = array<i32>} : memref<128x128xf32, #tpu.memory_space<vmem>>, vector<1x16xf32>,
        %swap3A_627 = arith.index_cast %add3A_563 : i32 to index
        %swap3A_628 = arith.constant 80 : index
        %swap3A_629 = tpu.vector_load %arg9[%swap3A_627, %swap3A_628] {strides = array<i32>} : memref<128x128xf32, #tpu.memory_space<vmem>>, vector<1x16xf32>,
        %swap3A_630 = vector.shape_cast %swap3A_629 : vector<1x16xf32> to vector<16xf32>
        %swap3A_631 = vector.shape_cast %scan3A_600#5 : vector<16xf32> to vector<1x16xf32>
        tpu.vector_store %arg9[%swap3A_627, %swap3A_628], %swap3A_631 {strides = array<i32>} : memref<128x128xf32, #tpu.memory_space<vmem>>, vector<1x16xf32>,
        %swap3A_632 = arith.index_cast %add3A_563 : i32 to index
        %swap3A_633 = arith.constant 96 : index
        %swap3A_634 = tpu.vector_load %arg9[%swap3A_632, %swap3A_633] {strides = array<i32>} : memref<128x128xf32, #tpu.memory_space<vmem>>, vector<1x16xf32>,
        %swap3A_635 = vector.shape_cast %swap3A_634 : vector<1x16xf32> to vector<16xf32>
        %swap3A_636 = vector.shape_cast %scan3A_600#6 : vector<16xf32> to vector<1x16xf32>
        tpu.vector_store %arg9[%swap3A_632, %swap3A_633], %swap3A_636 {strides = array<i32>} : memref<128x128xf32, #tpu.memory_space<vmem>>, vector<1x16xf32>,
        %swap3A_637 = arith.index_cast %add3A_563 : i32 to index
        %swap3A_638 = arith.constant 112 : index
        %swap3A_639 = tpu.vector_load %arg9[%swap3A_637, %swap3A_638] {strides = array<i32>} : memref<128x128xf32, #tpu.memory_space<vmem>>, vector<1x16xf32>,
        %swap3A_640 = vector.shape_cast %swap3A_639 : vector<1x16xf32> to vector<16xf32>
        %swap3A_641 = vector.shape_cast %scan3A_600#7 : vector<16xf32> to vector<1x16xf32>
        tpu.vector_store %arg9[%swap3A_637, %swap3A_638], %swap3A_641 {strides = array<i32>} : memref<128x128xf32, #tpu.memory_space<vmem>>, vector<1x16xf32>,
        %mul3A_642 = arith.constant 4 : i32
        %mul3A_643 = arith.muli %add3A_381, %mul3A_642 : i32
        %add3A_644 = arith.constant 3 : i32
        %add3A_645 = arith.addi %mul3A_643, %add3A_644 : i32
        %get3A_646 = arith.index_cast %add3A_645 : i32 to index
        %get3A_647 = arith.constant 0 : index
        %get3A_648 = tpu.vector_load %arg8[%get3A_646, %get3A_647] {strides = array<i32>} : memref<128x128xf32, #tpu.memory_space<vmem>>, vector<1x16xf32>,
        %get3A_649 = vector.shape_cast %get3A_648 : vector<1x16xf32> to vector<16xf32>
        %get3A_650 = arith.index_cast %add3A_645 : i32 to index
        %get3A_651 = arith.constant 16 : index
        %get3A_652 = tpu.vector_load %arg8[%get3A_650, %get3A_651] {strides = array<i32>} : memref<128x128xf32, #tpu.memory_space<vmem>>, vector<1x16xf32>,
        %get3A_653 = vector.shape_cast %get3A_652 : vector<1x16xf32> to vector<16xf32>
        %get3A_654 = arith.index_cast %add3A_645 : i32 to index
        %get3A_655 = arith.constant 32 : index
        %get3A_656 = tpu.vector_load %arg8[%get3A_654, %get3A_655] {strides = array<i32>} : memref<128x128xf32, #tpu.memory_space<vmem>>, vector<1x16xf32>,
        %get3A_657 = vector.shape_cast %get3A_656 : vector<1x16xf32> to vector<16xf32>
        %get3A_658 = arith.index_cast %add3A_645 : i32 to index
        %get3A_659 = arith.constant 48 : index
        %get3A_660 = tpu.vector_load %arg8[%get3A_658, %get3A_659] {strides = array<i32>} : memref<128x128xf32, #tpu.memory_space<vmem>>, vector<1x16xf32>,
        %get3A_661 = vector.shape_cast %get3A_660 : vector<1x16xf32> to vector<16xf32>
        %get3A_662 = arith.index_cast %add3A_645 : i32 to index
        %get3A_663 = arith.constant 64 : index
        %get3A_664 = tpu.vector_load %arg8[%get3A_662, %get3A_663] {strides = array<i32>} : memref<128x128xf32, #tpu.memory_space<vmem>>, vector<1x16xf32>,
        %get3A_665 = vector.shape_cast %get3A_664 : vector<1x16xf32> to vector<16xf32>
        %get3A_666 = arith.index_cast %add3A_645 : i32 to index
        %get3A_667 = arith.constant 80 : index
        %get3A_668 = tpu.vector_load %arg8[%get3A_666, %get3A_667] {strides = array<i32>} : memref<128x128xf32, #tpu.memory_space<vmem>>, vector<1x16xf32>,
        %get3A_669 = vector.shape_cast %get3A_668 : vector<1x16xf32> to vector<16xf32>
        %get3A_670 = arith.index_cast %add3A_645 : i32 to index
        %get3A_671 = arith.constant 96 : index
        %get3A_672 = tpu.vector_load %arg8[%get3A_670, %get3A_671] {strides = array<i32>} : memref<128x128xf32, #tpu.memory_space<vmem>>, vector<1x16xf32>,
        %get3A_673 = vector.shape_cast %get3A_672 : vector<1x16xf32> to vector<16xf32>
        %get3A_674 = arith.index_cast %add3A_645 : i32 to index
        %get3A_675 = arith.constant 112 : index
        %get3A_676 = tpu.vector_load %arg8[%get3A_674, %get3A_675] {strides = array<i32>} : memref<128x128xf32, #tpu.memory_space<vmem>>, vector<1x16xf32>,
        %get3A_677 = vector.shape_cast %get3A_676 : vector<1x16xf32> to vector<16xf32>
        %scan3A_678 = arith.constant 0 : i32
        %scan3A_679 = arith.constant 32 : i32
        %scan3A_680 = arith.addi %scan3A_678, %scan3A_679 : i32
        %scan3A_681 = arith.constant 1 : i32
        %scan3A_682:8 = scf.for %scan3A_724 = %scan3A_678 to %scan3A_680 step %scan3A_681 iter_args(%scan3A_725 = %get3A_649, %scan3A_726 = %get3A_653, %scan3A_727 = %get3A_657, %scan3A_728 = %get3A_661, %scan3A_729 = %get3A_665, %scan3A_730 = %get3A_669, %scan3A_731 = %get3A_673, %scan3A_732 = %get3A_677) -> (vector<16xf32>, vector<16xf32>, vector<16xf32>, vector<16xf32>, vector<16xf32>, vector<16xf32>, vector<16xf32>, vector<16xf32>)  : i32 {
          %add3A_733 = arith.constant 96 : i32
          %add3A_734 = arith.addi %add3A_733, %scan3A_724 : i32
          %get3A_735 = arith.index_cast %add3A_734 : i32 to index
          %get3A_736 = arith.constant 0 : index
          %get3A_737 = tpu.vector_load %arg11[%get3A_735, %get3A_736] {strides = array<i32>} : memref<128x128xf32, #tpu.memory_space<vmem>>, vector<1x16xf32>,
          %get3A_738 = vector.shape_cast %get3A_737 : vector<1x16xf32> to vector<16xf32>
          %add3A_739 = arith.addf %scan3A_725, %get3A_738 : vector<16xf32>
          %add3A_740 = arith.constant 96 : i32
          %add3A_741 = arith.addi %add3A_740, %scan3A_724 : i32
          %get3A_742 = arith.index_cast %add3A_741 : i32 to index
          %get3A_743 = arith.constant 16 : index
          %get3A_744 = tpu.vector_load %arg11[%get3A_742, %get3A_743] {strides = array<i32>} : memref<128x128xf32, #tpu.memory_space<vmem>>, vector<1x16xf32>,
          %get3A_745 = vector.shape_cast %get3A_744 : vector<1x16xf32> to vector<16xf32>
          %add3A_746 = arith.addf %scan3A_726, %get3A_745 : vector<16xf32>
          %add3A_747 = arith.constant 96 : i32
          %add3A_748 = arith.addi %add3A_747, %scan3A_724 : i32
          %get3A_749 = arith.index_cast %add3A_748 : i32 to index
          %get3A_750 = arith.constant 32 : index
          %get3A_751 = tpu.vector_load %arg11[%get3A_749, %get3A_750] {strides = array<i32>} : memref<128x128xf32, #tpu.memory_space<vmem>>, vector<1x16xf32>,
          %get3A_752 = vector.shape_cast %get3A_751 : vector<1x16xf32> to vector<16xf32>
          %add3A_753 = arith.addf %scan3A_727, %get3A_752 : vector<16xf32>
          %add3A_754 = arith.constant 96 : i32
          %add3A_755 = arith.addi %add3A_754, %scan3A_724 : i32
          %get3A_756 = arith.index_cast %add3A_755 : i32 to index
          %get3A_757 = arith.constant 48 : index
          %get3A_758 = tpu.vector_load %arg11[%get3A_756, %get3A_757] {strides = array<i32>} : memref<128x128xf32, #tpu.memory_space<vmem>>, vector<1x16xf32>,
          %get3A_759 = vector.shape_cast %get3A_758 : vector<1x16xf32> to vector<16xf32>
          %add3A_760 = arith.addf %scan3A_728, %get3A_759 : vector<16xf32>
          %add3A_761 = arith.constant 96 : i32
          %add3A_762 = arith.addi %add3A_761, %scan3A_724 : i32
          %get3A_763 = arith.index_cast %add3A_762 : i32 to index
          %get3A_764 = arith.constant 64 : index
          %get3A_765 = tpu.vector_load %arg11[%get3A_763, %get3A_764] {strides = array<i32>} : memref<128x128xf32, #tpu.memory_space<vmem>>, vector<1x16xf32>,
          %get3A_766 = vector.shape_cast %get3A_765 : vector<1x16xf32> to vector<16xf32>
          %add3A_767 = arith.addf %scan3A_729, %get3A_766 : vector<16xf32>
          %add3A_768 = arith.constant 96 : i32
          %add3A_769 = arith.addi %add3A_768, %scan3A_724 : i32
          %get3A_770 = arith.index_cast %add3A_769 : i32 to index
          %get3A_771 = arith.constant 80 : index
          %get3A_772 = tpu.vector_load %arg11[%get3A_770, %get3A_771] {strides = array<i32>} : memref<128x128xf32, #tpu.memory_space<vmem>>, vector<1x16xf32>,
          %get3A_773 = vector.shape_cast %get3A_772 : vector<1x16xf32> to vector<16xf32>
          %add3A_774 = arith.addf %scan3A_730, %get3A_773 : vector<16xf32>
          %add3A_775 = arith.constant 96 : i32
          %add3A_776 = arith.addi %add3A_775, %scan3A_724 : i32
          %get3A_777 = arith.index_cast %add3A_776 : i32 to index
          %get3A_778 = arith.constant 96 : index
          %get3A_779 = tpu.vector_load %arg11[%get3A_777, %get3A_778] {strides = array<i32>} : memref<128x128xf32, #tpu.memory_space<vmem>>, vector<1x16xf32>,
          %get3A_780 = vector.shape_cast %get3A_779 : vector<1x16xf32> to vector<16xf32>
          %add3A_781 = arith.addf %scan3A_731, %get3A_780 : vector<16xf32>
          %add3A_782 = arith.constant 96 : i32
          %add3A_783 = arith.addi %add3A_782, %scan3A_724 : i32
          %get3A_784 = arith.index_cast %add3A_783 : i32 to index
          %get3A_785 = arith.constant 112 : index
          %get3A_786 = tpu.vector_load %arg11[%get3A_784, %get3A_785] {strides = array<i32>} : memref<128x128xf32, #tpu.memory_space<vmem>>, vector<1x16xf32>,
          %get3A_787 = vector.shape_cast %get3A_786 : vector<1x16xf32> to vector<16xf32>
          %add3A_788 = arith.addf %scan3A_732, %get3A_787 : vector<16xf32>
          scf.yield %add3A_739, %add3A_746, %add3A_753, %add3A_760, %add3A_767, %add3A_774, %add3A_781, %add3A_788 : vector<16xf32>, vector<16xf32>, vector<16xf32>, vector<16xf32>, vector<16xf32>, vector<16xf32>, vector<16xf32>, vector<16xf32>
        }
        %scan3A_683 = arith.constant 32 : i32
        %swap3A_684 = arith.index_cast %add3A_645 : i32 to index
        %swap3A_685 = arith.constant 0 : index
        %swap3A_686 = tpu.vector_load %arg9[%swap3A_684, %swap3A_685] {strides = array<i32>} : memref<128x128xf32, #tpu.memory_space<vmem>>, vector<1x16xf32>,
        %swap3A_687 = vector.shape_cast %swap3A_686 : vector<1x16xf32> to vector<16xf32>
        %swap3A_688 = vector.shape_cast %scan3A_682#0 : vector<16xf32> to vector<1x16xf32>
        tpu.vector_store %arg9[%swap3A_684, %swap3A_685], %swap3A_688 {strides = array<i32>} : memref<128x128xf32, #tpu.memory_space<vmem>>, vector<1x16xf32>,
        %swap3A_689 = arith.index_cast %add3A_645 : i32 to index
        %swap3A_690 = arith.constant 16 : index
        %swap3A_691 = tpu.vector_load %arg9[%swap3A_689, %swap3A_690] {strides = array<i32>} : memref<128x128xf32, #tpu.memory_space<vmem>>, vector<1x16xf32>,
        %swap3A_692 = vector.shape_cast %swap3A_691 : vector<1x16xf32> to vector<16xf32>
        %swap3A_693 = vector.shape_cast %scan3A_682#1 : vector<16xf32> to vector<1x16xf32>
        tpu.vector_store %arg9[%swap3A_689, %swap3A_690], %swap3A_693 {strides = array<i32>} : memref<128x128xf32, #tpu.memory_space<vmem>>, vector<1x16xf32>,
        %swap3A_694 = arith.index_cast %add3A_645 : i32 to index
        %swap3A_695 = arith.constant 32 : index
        %swap3A_696 = tpu.vector_load %arg9[%swap3A_694, %swap3A_695] {strides = array<i32>} : memref<128x128xf32, #tpu.memory_space<vmem>>, vector<1x16xf32>,
        %swap3A_697 = vector.shape_cast %swap3A_696 : vector<1x16xf32> to vector<16xf32>
        %swap3A_698 = vector.shape_cast %scan3A_682#2 : vector<16xf32> to vector<1x16xf32>
        tpu.vector_store %arg9[%swap3A_694, %swap3A_695], %swap3A_698 {strides = array<i32>} : memref<128x128xf32, #tpu.memory_space<vmem>>, vector<1x16xf32>,
        %swap3A_699 = arith.index_cast %add3A_645 : i32 to index
        %swap3A_700 = arith.constant 48 : index
        %swap3A_701 = tpu.vector_load %arg9[%swap3A_699, %swap3A_700] {strides = array<i32>} : memref<128x128xf32, #tpu.memory_space<vmem>>, vector<1x16xf32>,
        %swap3A_702 = vector.shape_cast %swap3A_701 : vector<1x16xf32> to vector<16xf32>
        %swap3A_703 = vector.shape_cast %scan3A_682#3 : vector<16xf32> to vector<1x16xf32>
        tpu.vector_store %arg9[%swap3A_699, %swap3A_700], %swap3A_703 {strides = array<i32>} : memref<128x128xf32, #tpu.memory_space<vmem>>, vector<1x16xf32>,
        %swap3A_704 = arith.index_cast %add3A_645 : i32 to index
        %swap3A_705 = arith.constant 64 : index
        %swap3A_706 = tpu.vector_load %arg9[%swap3A_704, %swap3A_705] {strides = array<i32>} : memref<128x128xf32, #tpu.memory_space<vmem>>, vector<1x16xf32>,
        %swap3A_707 = vector.shape_cast %swap3A_706 : vector<1x16xf32> to vector<16xf32>
        %swap3A_708 = vector.shape_cast %scan3A_682#4 : vector<16xf32> to vector<1x16xf32>
        tpu.vector_store %arg9[%swap3A_704, %swap3A_705], %swap3A_708 {strides = array<i32>} : memref<128x128xf32, #tpu.memory_space<vmem>>, vector<1x16xf32>,
        %swap3A_709 = arith.index_cast %add3A_645 : i32 to index
        %swap3A_710 = arith.constant 80 : index
        %swap3A_711 = tpu.vector_load %arg9[%swap3A_709, %swap3A_710] {strides = array<i32>} : memref<128x128xf32, #tpu.memory_space<vmem>>, vector<1x16xf32>,
        %swap3A_712 = vector.shape_cast %swap3A_711 : vector<1x16xf32> to vector<16xf32>
        %swap3A_713 = vector.shape_cast %scan3A_682#5 : vector<16xf32> to vector<1x16xf32>
        tpu.vector_store %arg9[%swap3A_709, %swap3A_710], %swap3A_713 {strides = array<i32>} : memref<128x128xf32, #tpu.memory_space<vmem>>, vector<1x16xf32>,
        %swap3A_714 = arith.index_cast %add3A_645 : i32 to index
        %swap3A_715 = arith.constant 96 : index
        %swap3A_716 = tpu.vector_load %arg9[%swap3A_714, %swap3A_715] {strides = array<i32>} : memref<128x128xf32, #tpu.memory_space<vmem>>, vector<1x16xf32>,
        %swap3A_717 = vector.shape_cast %swap3A_716 : vector<1x16xf32> to vector<16xf32>
        %swap3A_718 = vector.shape_cast %scan3A_682#6 : vector<16xf32> to vector<1x16xf32>
        tpu.vector_store %arg9[%swap3A_714, %swap3A_715], %swap3A_718 {strides = array<i32>} : memref<128x128xf32, #tpu.memory_space<vmem>>, vector<1x16xf32>,
        %swap3A_719 = arith.index_cast %add3A_645 : i32 to index
        %swap3A_720 = arith.constant 112 : index
        %swap3A_721 = tpu.vector_load %arg9[%swap3A_719, %swap3A_720] {strides = array<i32>} : memref<128x128xf32, #tpu.memory_space<vmem>>, vector<1x16xf32>,
        %swap3A_722 = vector.shape_cast %swap3A_721 : vector<1x16xf32> to vector<16xf32>
        %swap3A_723 = vector.shape_cast %scan3A_682#7 : vector<16xf32> to vector<1x16xf32>
        tpu.vector_store %arg9[%swap3A_719, %swap3A_720], %swap3A_723 {strides = array<i32>} : memref<128x128xf32, #tpu.memory_space<vmem>>, vector<1x16xf32>,
      }
      %scan3A_32 = arith.constant 16 : i32
      %mul3A_33 = arith.constant 128 : i32
      %mul3A_34 = arith.muli %scan3A_9, %mul3A_33 : i32
      %add3A_35 = arith.addi %mul3A_2, %mul3A_34 : i32
      "tpu.region"() ({
        %run_scoped3A = tpu.sem_alloc : memref<!tpu.dma_semaphore, #tpu.memory_space<semaphore_mem>>
        %dma_start3A_36 = arith.constant 0 : i32
        %dma_start3A_37 = tpu.memref_slice %arg5[%add3A_35, %dma_start3A_36] : memref<16384x128xf32, #tpu.memory_space<hbm>> -> memref<128x128xf32, #tpu.memory_space<hbm>>
        %dma_start3A_38 = arith.constant 0 : i32
        %dma_start3A_39 = tpu.memref_slice %arg5[%add3A_35, %dma_start3A_38] : memref<16384x128xf32, #tpu.memory_space<hbm>> -> memref<128x128xf32, #tpu.memory_space<hbm>>
        tpu.enqueue_dma source(%arg9 : memref<128x128xf32, #tpu.memory_space<vmem>>) target(%dma_start3A_39 : memref<128x128xf32, #tpu.memory_space<hbm>>) target_semaphore(%run_scoped3A : memref<!tpu.dma_semaphore, #tpu.memory_space<semaphore_mem>>)
        %dma_wait3A_40 = arith.constant 0 : i32
        %dma_wait3A_41 = tpu.memref_slice %arg5[%add3A_35, %dma_wait3A_40] : memref<16384x128xf32, #tpu.memory_space<hbm>> -> memref<128x128xf32, #tpu.memory_space<hbm>>
        %dma_wait3A_42 = arith.constant 0 : i32
        %dma_wait3A_43 = tpu.memref_slice %arg5[%add3A_35, %dma_wait3A_42] : memref<16384x128xf32, #tpu.memory_space<hbm>> -> memref<128x128xf32, #tpu.memory_space<hbm>>
        tpu.wait_dma2 semaphore(%run_scoped3A : memref<!tpu.dma_semaphore, #tpu.memory_space<semaphore_mem>>) src(%arg9 : memref<128x128xf32, #tpu.memory_space<vmem>>) dst(%dma_wait3A_43 : memref<128x128xf32, #tpu.memory_space<hbm>>)
        tpu.yield
      }) : () -> ()
    }
    %scan3A_8 = arith.constant 4 : i32
    return
  }
}

module attributes {stable_mosaic.version = 14 : i64} {
  func.func @_mm_body(%arg0: i32, %arg1: memref<2048x128xf32, #tpu.memory_space<vmem>>, %arg2: memref<128x128xf32, #tpu.memory_space<vmem>>, %arg3: memref<2048x128xf32, #tpu.memory_space<vmem>>) attributes {dimension_semantics = [#tpu.dimension_semantics<arbitrary>], iteration_bounds = array<i64: 8>, scalar_prefetch = 0 : i64, scratch_operands = 0 : i64, tpu.core_type = #tpu.core_type<tc>, window_params = [{transform_indices = @transform_0, window_bounds = array<i64: 2048, 128>}, {pipeline_mode = #tpu.pipeline_mode<synchronous>, transform_indices = @transform_1, window_bounds = array<i64: 128, 128>}, {transform_indices = @transform_2, window_bounds = array<i64: 2048, 128>}]} {
    %get3A = arith.constant 0 : index
    %get3A_0 = arith.constant 0 : index
    %get3A_1 = vector.load %arg1[%get3A, %get3A_0] : memref<2048x128xf32, #tpu.memory_space<vmem>>, vector<2048x128xf32>
    %get3A_2 = arith.constant 0 : index
    %get3A_3 = arith.constant 0 : index
    %get3A_4 = vector.load %arg2[%get3A_2, %get3A_3] : memref<128x128xf32, #tpu.memory_space<vmem>>, vector<128x128xf32>
    %dot_general3A = arith.constant dense<0.000000e+00> : vector<2048x128xf32>
    %dot_general3A_5 = tpu.matmul %get3A_1, %get3A_4, %dot_general3A {dimension_numbers = #tpu.dot_dimension_numbers<[1], [0], [0], [1], [0, 0, 1, 1], [], []>, transpose_lhs_hint = false} : vector<2048x128xf32>, vector<128x128xf32>, vector<2048x128xf32> -> vector<2048x128xf32>
    %max3A = arith.constant 0.000000e+00 : f32
    %max3A_6 = vector.broadcast %max3A : f32 to vector<2048x128xf32>
    %max3A_7 = arith.maximumf %dot_general3A_5, %max3A_6 : vector<2048x128xf32>
    %mul3A = arith.constant 0.0303030312 : f32
    %mul3A_8 = vector.broadcast %mul3A : f32 to vector<2048x128xf32>
    %mul3A_9 = arith.mulf %max3A_7, %mul3A_8 : vector<2048x128xf32>
    %swap3A = arith.constant 0 : index
    %swap3A_10 = arith.constant 0 : index
    %swap3A_11 = vector.load %arg3[%swap3A, %swap3A_10] : memref<2048x128xf32, #tpu.memory_space<vmem>>, vector<2048x128xf32>
    tpu.vector_store %arg3[%swap3A, %swap3A_10], %mul3A_9 {strides = array<i32>} : memref<2048x128xf32, #tpu.memory_space<vmem>>, vector<2048x128xf32>,
    return
  }
  func.func @transform_0(%arg0: i32) -> (i32, i32) {
    %c0_i32 = arith.constant 0 : i32
    %c0_i32_0 = arith.constant 0 : i32
    return %arg0, %c0_i32 : i32, i32
  }
  func.func @transform_1(%arg0: i32) -> (i32, i32) {
    %c0_i32 = arith.constant 0 : i32
    %c0_i32_0 = arith.constant 0 : i32
    %c0_i32_1 = arith.constant 0 : i32
    return %c0_i32, %c0_i32_0 : i32, i32
  }
  func.func @transform_2(%arg0: i32) -> (i32, i32) {
    %c0_i32 = arith.constant 0 : i32
    %c0_i32_0 = arith.constant 0 : i32
    return %arg0, %c0_i32 : i32, i32
  }
}

</mosaic_0001>

<sc_bundles>
// kernel: kernel.4.cloned.1.call-start
scs
__scs_entry_jumppad:
0x0: {  	(pc) =	sbr.rel $0x88, $3  }
0x1: {  	(tag) =	ssettag $0x0;
	lr =	simm.s32 $0x1  }
0x2: {  	[smem:$0x3F9C] =	sst lr;
	_ =	strace $0xD0000000  }
0x3: {  	_ = 	snop  }
0x4: {  	_ = 	snop  }
0x5: {  	_ = 	snop  }
0x6: {  	_ = 	snop  }
0x7: {  	_ = 	snop  }
__scs_overlays_trampoline_lowered:
0x8: {  	[smem:$0x3FAB] =	sst s0  }
0x9: {  	[smem:$0x3FAC] =	sst s1  }
0xa: {  	[smem:$0x3FAD] =	sst s2  }
0xb: {  	[smem:$0x3FAE] =	sst s3  }
0xc: {  	[smem:$0x3FAF] =	sst s4  }
0xd: {  	[smem:$0x3FB0] =	sst s5  }
0xe: {  	[smem:$0x3FB1] =	sst s6  }
0xf: {  	[smem:$0x3FB2] =	sst s7  }
0x10: {  	[smem:$0x3FB3] =	sst s8  }
0x11: {  	[smem:$0x3FB4] =	sst s9;
	s0 =	simm.s32 @!p0 $0x0  }
0x12: {  	s1 =	sld [smem:$0x3F9A];
	s0 =	simm.s32 @p0 $0x1  }
0x13: {  	[smem:$0x3FB5] =	sst s0;
	s0 =	simm.s32 @!p1 $0x0  }
0x14: {  	s2 =	sld [smem:$0x3F99];
	s0 =	simm.s32 @p1 $0x1  }
0x15: {  	[smem:$0x3FB6] =	sst s0;
	s0 =	simm.s32 @!p2 $0x0  }
0x16: {  	s3 =	sld [smem:$0x3FDB];
	s0 =	simm.s32 @p2 $0x1  }
0x17: {  	s4 =	simm.s32 $0x1BF5;
	[smem:$0x3FB8] =	sst s0  }
0x18: {  	s0 =	sld [smem:$0x3F9B];
	_ =	swait.ge [sflag:s4], $0x0  }
0x19: {  	s7 =	sld [smem:$0x3F9C]  }
0x1a: {  	s8 =	sadd.s32 $0xFFFFE003, lr  }
0x1b: {  	s9 =	sadd.s32 $0xFFFFFEF7, lr;
	s5 =	simm.s32 $0xFFFFFFFF;
	p2 =	slt.u32 s8, $0xFFFFF086  }
0x1c: {  	p1 =	slt.u32 s9, $0xF7A;
	s5 =	simm.s32 @!p2 $0x0  }
0x1d: {  	s5 =	simm.s32 @p1 $0x1;
	p0 =	seq.s32 s7, s2  }
0x1e: {  	s7 =	smul.u32 @!p0 $0xF7A, s2;
	p2 =	seq.s32 @!p0 s5, $0x0  }
0x1f: {  	s9 =	smul.u32 $0xF7A, s1;
	s8 =	simm.s32 @!p0 $0x1BF5;
	p2 =	por !p2, p0  }
0x20: {  	[sflag:s8] =	ssyncset.s32 @!p0 $0xFFFFF086;
	s6 =	sadd.s32 @!p0 s3, s7;
	s7 =	simm.s32 @!p0 $0x108  }
0x21: {  	s3 =	sadd.s32 s3, s9;
	s6 =	sadd.s32 @!p0 $0x88, s6;
	s7 =	simm.s32 @p2 $0x1082  }
0x22: {  	[simem:s7], [sflag:s8] =	dma.local @!p0 [hbm:s6], $0xF7A  }
0x23: {  	s9 =	sor.u32 $0xD0000000, s2;
	s6 =	simm.s32 $0x108;
	_ =	swait.ge @!p0 [sflag:s8], $0x0  }
0x24: {  	s3 =	sadd.s32 $0x88, s3;
	s6 =	simm.s32 @!p1 $0x1082;
	[sflag:s4] =	ssyncset.s32 $0xFFFFF086  }
0x25: {  	[simem:s6], [sflag:s4] =	dma.local [hbm:s3], $0xF7A  }
0x26: {  	[smem:$0x3F9C] =	sst s1;
	(tag) =	ssettag s2;
	_ =	strace s9  }
0x27: {  	s1 =	sld [smem:$0x3FAC]  }
0x28: {  	s2 =	sld [smem:$0x3FAD]  }
0x29: {  	s4 =	sld [smem:$0x3FAF]  }
0x2a: {  	p0 =	seq.s32 s5, $0x0;
	s5 =	sld [smem:$0x3FB0]  }
0x2b: {  	s6 =	sld [smem:$0x3FB1]  }
0x2c: {  	s7 =	sld [smem:$0x3FB2]  }
0x2d: {  	s3 =	simm.s32 $0x108;
	s8 =	sld [smem:$0x3FB3]  }
0x2e: {  	s3 =	simm.s32 @!p0 $0x1082;
	s9 =	sld [smem:$0x3FB4]  }
0x2f: {  	lr =	sadd.s32 s0, s3;
	s0 =	sld [smem:$0x3FAB]  }
0x30: {  	s3 =	sld [smem:$0x3FAE]  }
0x31: {  	[smem:$0x3FB7] =	sst s10  }
0x32: {  	s10 =	sld [smem:$0x3FB5];
	_ =	sdelay $0x3  }
0x33: {  	p0 =	seq.s32 s10, $0x1;
	s10 =	sld [smem:$0x3FB7];
	_ =	sdelay $0x3  }
0x34: {  	[smem:$0x3FB7] =	sst s10  }
0x35: {  	s10 =	sld [smem:$0x3FB6];
	_ =	sdelay $0x3  }
0x36: {  	p1 =	seq.s32 s10, $0x1;
	s10 =	sld [smem:$0x3FB7];
	_ =	sdelay $0x3  }
0x37: {  	[smem:$0x3FB7] =	sst s10  }
0x38: {  	s10 =	sld [smem:$0x3FB8]  }
0x39: {  	_ = 	snop;
	(pc) =	sbr.ind lr, $3  }
0x3a: {  	_ = 	snop  }
0x3b: {  	_ = 	snop  }
0x3c: {  	p2 =	seq.s32 s10, $0x1;
	s10 =	sld [smem:$0x3FB7]  }
0x3d: {  	_ =	shalt  }
0x3e: {  	_ =	shalt  }
0x3f: {  	_ =	shalt  }
0x40: {  	_ =	shalt  }
0x41: {  	_ =	shalt  }
0x42: {  	_ =	shalt  }
0x43: {  	_ =	shalt  }
0x44: {  	_ =	shalt  }
0x45: {  	_ =	shalt  }
0x46: {  	_ =	shalt  }
0x47: {  	_ =	shalt  }
0x48: {  	_ =	shalt  }
0x49: {  	_ =	shalt  }
0x4a: {  	_ =	shalt  }
0x4b: {  	_ =	shalt  }
0x4c: {  	_ =	shalt  }
0x4d: {  	_ =	shalt  }
0x4e: {  	_ =	shalt  }
0x4f: {  	_ =	shalt  }
0x50: {  	_ =	shalt  }
0x51: {  	_ =	shalt  }
0x52: {  	_ =	shalt  }
0x53: {  	_ =	shalt  }
0x54: {  	_ =	shalt  }
0x55: {  	_ =	shalt  }
0x56: {  	_ =	shalt  }
0x57: {  	_ =	shalt  }
0x58: {  	_ =	shalt  }
0x59: {  	_ =	shalt  }
0x5a: {  	_ =	shalt  }
0x5b: {  	_ =	shalt  }
0x5c: {  	_ =	shalt  }
0x5d: {  	_ =	shalt  }
0x5e: {  	_ =	shalt  }
0x5f: {  	_ =	shalt  }
0x60: {  	_ =	shalt  }
0x61: {  	_ =	shalt  }
0x62: {  	_ =	shalt  }
0x63: {  	_ =	shalt  }
0x64: {  	_ =	shalt  }
0x65: {  	_ =	shalt  }
0x66: {  	_ =	shalt  }
0x67: {  	_ =	shalt  }
0x68: {  	_ =	shalt  }
0x69: {  	_ =	shalt  }
0x6a: {  	_ =	shalt  }
0x6b: {  	_ =	shalt  }
0x6c: {  	_ =	shalt  }
0x6d: {  	_ =	shalt  }
0x6e: {  	_ =	shalt  }
0x6f: {  	_ =	shalt  }
0x70: {  	_ =	shalt  }
0x71: {  	_ =	shalt  }
0x72: {  	_ =	shalt  }
0x73: {  	_ =	shalt  }
0x74: {  	_ =	shalt  }
0x75: {  	_ =	shalt  }
0x76: {  	_ =	shalt  }
0x77: {  	_ =	shalt  }
0x78: {  	_ =	shalt  }
0x79: {  	_ =	shalt  }
0x7a: {  	_ =	shalt  }
0x7b: {  	_ =	shalt  }
0x7c: {  	_ =	shalt  }
0x7d: {  	_ =	shalt  }
0x7e: {  	_ =	shalt  }
0x7f: {  	_ =	shalt  }
0x80: {  	_ =	shalt  }
0x81: {  	_ =	shalt  }
0x82: {  	_ =	shalt  }
0x83: {  	_ =	shalt  }
0x84: {  	_ =	shalt  }
0x85: {  	_ =	shalt  }
0x86: {  	_ =	shalt  }
0x87: {  	_ =	shalt  }
.Lfunc_end0:
.L_simem_size_0:
called_computation_lowered:
.L_overlay_start_0:
0x88: {  	s2 =	sld [smem:$0x3FD9]  }
0x89: {  	s3 =	sld [smem:$0x3FFE];
	_ =	sdelay $0x1  }
0x8a: {  	s1 =	srdreg.scid  }
0x8b: {  	s0 =	sand.u32 $0x1, s1  }
0x8c: {  	s15 =	sshll.u32 s0, $0xA;
	s2 =	sadd.s32 s3, s2  }
0x8d: {  	s2 =	sadd.s32 s2, s15  }
0x8e: {  	[smem:$0x3FC3] =	sst s2  }
0x8f: {  	_ = 	snop  }
0x90: {  	s2 =	sld [smem:$0x3FD0];
	_ =	sdelay $0x1  }
0x91: {  	s16 =	sld [smem:$0x3FC9]  }
0x92: {  	s5 =	simm.s32 $0xA;
	s6 =	simm.s32 $0x10;
	s4 =	sld [smem:$0x3FC8]  }
0x93: {  	[smem:s6], [sflag:s5] =	dma.local [hbm:s2], $0x1  }
0x94: {  	_ =	swait.eq [sflag:s5], $0x1  }
0x95: {  	[sflag:s5] =	ssyncset.done $0x0  }
0x96: {  	s17 =	sld [smem:$0x10];
	[sflag:s5] =	ssyncadd.s32 $0xFFFFFFFF  }
0x97: {  	s18 =	sld [smem:$0x11];
	(tm) =	ssettm $0x1  }
0x98: {  	s19 =	sld [smem:$0x3FFB];
	_ =	sdelay $0x3  }
0x99: {  	_ =	strace s19  }
0x9a: {  	s6 =	sld [smem:$0x3FFC];
	_ =	sdelay $0x3  }
0x9b: {  	_ =	strace s6  }
0x9c: {  	s6 =	sld [smem:$0x3FFD];
	_ =	sdelay $0x3  }
0x9d: {  	_ =	strace s6  }
0x9e: {  	_ =	strace $0x8FFFFFFF  }
0x9f: {  	s20 =	sld [smem:$0x3FDB];
	_ =	sdelay $0x1  }
0xa0: {  	s7 =	simm.s32 $_scs_section_size  }
0xa1: {  	s8 =	simm.s32 $_size__tile_overlayer_lowered;
	s9 =	simm.s32 $_tile_overlayer_lowered  }
0xa2: {  	s23 =	simm.s32 $0x1BFF;
	s22 =	sshll.u32 s9, $0x1;
	s6 =	sadd.s32 s7, s20  }
0xa3: {  	s10 =	simm.s32 $0x0;
	s21 =	sshll.u32 s8, $0x1;
	s8 =	sadd.s32 s22, s6  }
0xa4: {  	[timem:s10], [sflag:s23] =	dma.local [hbm:s8], s21  }
0xa5: {  	_ =	swait.ge [sflag:s23], s21  }
0xa6: {  	s7 =	ssub.s32 $0x0, s21;
	[sflag:s23] =	ssyncset.done $0x0  }
0xa7: {  	[sflag:s23] =	ssyncadd.s32 s7;
	_ =	sdelay $0x1  }
0xa8: {  	s24 =	simm.s32 $0x1B8B  }
0xa9: {  	_ =	swait.ge [sflag:s24], $0x1  }
0xaa: {  	[sflag:s24] =	ssyncset.done $0x0  }
0xab: {  	s25 =	simm.s32 $0x1B8E;
	[sflag:s24] =	ssyncadd.s32 $0xFFFFFFFF  }
0xac: {  	s26 =	simm.s32 $execute0_lowered;
	[smem:$0x3FD2] =	sst s25  }
0xad: {  	s7 =	sshll.u32 s26, $0x1;
	_ =	strace $0x80000046;
	[dreg:$0x1] =	wrdreg $0xFFFFFFFF  }
0xae: {  	s28 =	simm.s32 $_size_execute0_lowered;
	s6 =	sadd.s32 s6, s7;
	[dreg:$0x0] =	wrdreg $0x0  }
0xaf: {  	s7 =	sshll.u32 s28, $0x1;
	[dreg:$0x2] =	wrdreg s6  }
0xb0: {  	[dreg:$0x3] =	wrdreg s7  }
0xb1: {  	[dreg:$0x4] =	wrdreg $0xC0  }
0xb2: {  	_ =	task [dreg:s10], $0x5FFFF  }
0xb3: {  	[dreg:$0x1] =	wrdreg $0xFFFFFFFF  }
0xb4: {  	[dreg:$0x0] =	wrdreg $0x60  }
0xb5: {  	[dreg:$0x2] =	wrdreg s16  }
0xb6: {  	[dreg:$0x3] =	wrdreg s18  }
0xb7: {  	[dreg:$0x4] =	wrdreg s4  }
0xb8: {  	[dreg:$0x5] =	wrdreg s17  }
0xb9: {  	[dreg:$0x6] =	wrdreg $0x9  }
0xba: {  	_ =	task.clear_ibuf [dreg:s10], $0x7FFFF;
	_ =	strace $0x90000046  }
0xbb: {  	s29 =	simm.s32 $0x9;
	_ =	strace $0x80000048  }
0xbc: {  	_ =	swait.ge [sflag:s29], $0x1  }
0xbd: {  	[sflag:s29] =	ssyncadd.s32 $0xFFFFFFFF  }
0xbe: {  	_ =	strace $0x90000048  }
0xbf: {  	_ =	sfence  }
0xc0: {  	s30 =	sld [smem:$0x0];
	_ =	sdelay $0x2  }
0xc1: {  	s31 =	sshll.u32 s1, $0xD;
	s1 =	sshrl.u32 s1, $0x2  }
0xc2: {  	s3 =	sand.u32 $0x4000, s31;
	s1 =	sadd.s32 s1, s30  }
0xc3: {  	s0 =	sor.u32 s3, s0;
	s1 =	sshll.u32 s1, $0x11  }
0xc4: {  	s0 =	sor.u32 s1, s0  }
0xc5: {  	s0 =	sadd.s32 $0x8F2B, s0  }
0xc6: {  	[sflag:s0] =	ssyncadd.remote.s32 $0x1  }
0xc7: {  	_ =	sfence.sel $0xFFFF  }
0xc8: {  	[dreg:$0x0] =	wrdreg $0xFFFFFFFF;
	(pc) =	sbr.abs _section_cstart, $3  }
0xc9: {  	[dreg:$0x1] =	wrdreg $0xFFFFFFFF  }
0xca: {  	_ =	task.clear_ibuf [dreg:s10], $0x2FFFF;
	_ =	strace $0x9FFFFFFF  }
0xcb: {  	(tm) =	ssettm $0x7FFFFFFF  }
tec
execute0_lowered:
.L_overlay_start_1:
0x0: {  	(tag) =	ssettag $0x1  }
0x1: {  	s1 =	rddreg [dreg:$0x0]  }
0x2: {  	s0 =	rddreg [dreg:$0x1]  }
0x3: {  	s2 =	rddreg [dreg:$0x2]  }
0x4: {  	s6 =	rddreg [dreg:$0x3]  }
0x5: {  	s3 =	srdreg.scid;
	s8 =	stileid.u32  }
0x6: {  	s10 =	simm.s32 $0x80;
	s11 =	simm.s32 $0x4200;
	s12 =	simm.s32 $0x1  }
0x7: {  	s13 =	simm.s32 $0xC200;
	s14 =	simm.s32 $0x10200;
	s15 =	simm.s32 $0x2  }
0x8: {  	s16 =	simm.s32 $0x3;
	s17 =	simm.s32 $0x8200;
	s18 =	simm.s32 $0x0  }
0x9: {  	s4 =	sand.u32 $0x1, s3;
	s3 =	simm.s32 $0x0;
	s8 =	sshll.u32 s8, $0x1  }
0xa: {  	s5 =	ssub.s32 $0x2, s4;
	[smem:$0x7FF] =	sst s3;
	s4 =	sor.u32 s4, s8  }
0xb: {  	s7 =	sshrl.u32 s5, $0x1;
	_ =	strace $0x80000047;
	s31 =	sshll.u32 s4, $0xB  }
0xc: {  	s8 =	sshll.u32 s4, $0x6;
	s9 =	sshll.u32 s4, $0xD;
	s7 =	ssub.s32 s5, s7  }
0xd: {  	s0 =	sadd.s32 s0, s31;
	s5 =	sadd.s32 s2, s8;
	s6 =	sadd.s32 s6, s9  }
0xe: {  	s8 =	simm.s32 $0x4;
	[dreg:$0x5] =	wrdreg s0;
	s7 =	smax.u32 s7, $0x1  }
.LBB2_1:
0xf: {  	s0 =	rddreg [dreg:$0x5]  }
0x10: {  	[tilespmem:s3], [sflag:$0x4] =	stream.linear.gather [hbm4b:s0+s3], $0x4000, $0x38;
	[tilespmem:$0x14200] =	vst v63  }
0x11: {  	_ =	swait.ge [sflag:s8], $0x4000  }
0x12: {  	[sflag:s8] =	ssyncset.done $0x0  }
0x13: {  	s31 =	simm.s32 $0x4000;
	[sflag:s8] =	ssyncadd.s32 $0xFFFFC000  }
0x14: {  	[tilespmem:s31], [sflag:$0x4] =	stream.linear.gather [hbm4b:s5+s3], $0x200, $0x38;
	[tilespmem:$0x14200] =	vst v63  }
0x15: {  	_ =	swait.ge [sflag:s8], $0x200  }
0x16: {  	[sflag:s8] =	ssyncset.done $0x0  }
0x17: {  	s19 =	simm.s32 $0x0;
	[sflag:s8] =	ssyncadd.s32 $0xFFFFFE00  }
.LBB2_2:
0x18: {  	s0 =	sshll.u32 s19, $0x7  }
0x19: {  	s0 =	sand.u32 $0x3FFFFF80, s0  }
0x1a: {  	s0 =	sadd.s32 $0x4000, s0  }
0x1b: {  	[tilespmem:s11], [sflag:$0x1] =	stream.indirect.gather [hbm4b:s1+s10], $0x80, s0, s10, $0xb8;
	[tilespmem:$0x14200] =	vst v63  }
0x1c: {  	_ =	swait.ge [sflag:s12], $0x4000  }
0x1d: {  	s31 =	sshll.u32 s19, $0xC;
	[sflag:s12] =	ssyncset.done $0x0  }
0x1e: {  	s21 =	simm.s32 $0x0;
	s20 =	sand.u32 $0x3FFFF000, s31;
	[sflag:s12] =	ssyncadd.s32 $0xFFFFC000  }
0x1f: {  	[tilespmem:s13], [sflag:$0x2] =	stream.indirect.gather [hbm4b:s1+s10], $0x80, s20, s10, $0xb8;
	[tilespmem:$0x14200] =	vst v63  }
.LBB2_3:
0x20: {  	s23 =	sshll.u32 s21, $0xA  }
0x21: {  	s0 =	sshrl.u32 s23, $0x2  }
0x22: {  	s22 =	sadd.s32 s0, s20  }
0x23: {  	s0 =	sadd.s32 $0x80, s22  }
0x24: {  	[tilespmem:s14], [sflag:$0x3] =	stream.indirect.gather [hbm4b:s1+s10], $0x80, s0, s10, $0xb8;
	[tilespmem:$0x14200] =	vst v63  }
0x25: {  	_ =	swait.ge [sflag:s15], $0x4000  }
0x26: {  	[sflag:s15] =	ssyncset.done $0x0  }
0x27: {  	[sflag:s15] =	ssyncadd.s32 $0xFFFFC000  }
0x28: {  	v10 =	vld [tilespmem:s23+$0x4200]  }
0x29: {  	v11 =	vld [tilespmem:s23+$0x4210]  }
0x2a: {  	v4 =	vld [tilespmem:s23+$0x4220]  }
0x2b: {  	v3 =	vld [tilespmem:s23+$0x4230]  }
0x2c: {  	v2 =	vld [tilespmem:s23+$0x4240]  }
0x2d: {  	v1 =	vld [tilespmem:s23+$0x4250]  }
0x2e: {  	v0 =	vld [tilespmem:s23+$0x4260]  }
0x2f: {  	s9 =	simm.s32 $0x0;
	v5 =	vld [tilespmem:s23+$0x4270]  }
0x30: {  	v9 =	vld [tilespmem:s9+$0xC270]  }
0x31: {  	v12 =	vld [tilespmem:s9+$0xC200]  }
0x32: {  	v13 =	vld [tilespmem:s9+$0xC210]  }
0x33: {  	v8 =	vld [tilespmem:s9+$0xC220]  }
0x34: {  	v6 =	vld [tilespmem:s9+$0xC230]  }
0x35: {  	s2 =	simm.s32 $0x400;
	s31 =	sor.u32 $0x10, s23;
	s29 =	sor.u32 $0x20, s23;
	v7 =	vld [tilespmem:s9+$0xC240]  }
0x36: {  	s26 =	sor.u32 $0x30, s23;
	s28 =	sor.u32 $0x40, s23;
	s24 =	sor.u32 $0x50, s23;
	v5 =	vadd.f32 v9, v5;
	v9 =	vld [tilespmem:s9+$0xC250]  }
0x37: {  	s25 =	sor.u32 $0x60, s23;
	s30 =	sor.u32 $0x70, s23;
	s0 =	simm.s32 $0x80;
	v10 =	vadd.f32 v12, v10;
	v11 =	vadd.f32 v13, v11;
	v12 =	vld [tilespmem:s9+$0xC260]  }
.LBB2_4:
0x38: {  	p0 =	sne.s32 s2, $0x3E00;
	v13 =	vld [tilespmem:s0+$0xC270];
	v4 =	vadd.f32 v8, v4  }
0x39: {  	v14 =	vld [tilespmem:s0+$0xC200];
	v3 =	vadd.f32 v6, v3  }
0x3a: {  	v15 =	vld [tilespmem:s0+$0xC210];
	v2 =	vadd.f32 v7, v2  }
.Ltmp0:
0x3b: {  	v8 =	vld [tilespmem:s0+$0xC220];
	v1 =	vadd.f32 v9, v1;
	(pc) =	sbr.rel @p0 .LBB2_4-.Ltmp0, $4  }
0x3c: {  	v6 =	vld [tilespmem:s0+$0xC230];
	v0 =	vadd.f32 v12, v0  }
0x3d: {  	v7 =	vld [tilespmem:s0+$0xC240];
	v5 =	vadd.f32 v13, v5  }
0x3e: {  	v10 =	vadd.f32 v14, v10;
	v9 =	vld [tilespmem:s0+$0xC250]  }
0x3f: {  	v11 =	vadd.f32 v15, v11;
	v12 =	vld [tilespmem:s0+$0xC260];
	s0 =	sshra.s32 s2, $0x2;
	s2 =	sadd.s32 $0x200, s2  }
0x40: {  	v14 =	vld [tilespmem:s0+$0xC200]  }
0x41: {  	v15 =	vld [tilespmem:s0+$0xC210]  }
0x42: {  	v16 =	vld [tilespmem:s0+$0xC220]  }
0x43: {  	v17 =	vld [tilespmem:s0+$0xC230]  }
0x44: {  	v18 =	vld [tilespmem:s0+$0xC240]  }
0x45: {  	v4 =	vadd.f32 v8, v4;
	v8 =	vadd.f32 v14, v10;
	v10 =	vld [tilespmem:s0+$0xC250]  }
0x46: {  	v3 =	vadd.f32 v6, v3;
	v6 =	vadd.f32 v15, v11;
	v11 =	vld [tilespmem:s0+$0xC260]  }
0x47: {  	v13 =	vld [tilespmem:s0+$0xC270];
	v2 =	vadd.f32 v7, v2;
	v4 =	vadd.f32 v16, v4;
	[tilespmem:s23+$0x8200] =	vst v8  }
0x48: {  	v1 =	vadd.f32 v9, v1;
	v3 =	vadd.f32 v17, v3;
	[tilespmem:s31+$0x8200] =	vst v6  }
0x49: {  	v0 =	vadd.f32 v12, v0;
	v2 =	vadd.f32 v18, v2;
	[tilespmem:s29+$0x8200] =	vst v4  }
0x4a: {  	v1 =	vadd.f32 v10, v1;
	[tilespmem:s26+$0x8200] =	vst v3  }
0x4b: {  	v0 =	vadd.f32 v11, v0;
	[tilespmem:s28+$0x8200] =	vst v2  }
0x4c: {  	v2 =	vadd.f32 v13, v5;
	[tilespmem:s24+$0x8200] =	vst v1  }
0x4d: {  	[tilespmem:s25+$0x8200] =	vst v0  }
0x4e: {  	[tilespmem:s30+$0x8200] =	vst v2  }
0x4f: {  	v10 =	vld [tilespmem:s23+$0x4280]  }
0x50: {  	v11 =	vld [tilespmem:s23+$0x4290]  }
0x51: {  	v4 =	vld [tilespmem:s23+$0x42A0]  }
0x52: {  	v3 =	vld [tilespmem:s23+$0x42B0]  }
0x53: {  	v2 =	vld [tilespmem:s23+$0x42C0]  }
0x54: {  	v1 =	vld [tilespmem:s23+$0x42D0]  }
0x55: {  	v0 =	vld [tilespmem:s23+$0x42E0]  }
0x56: {  	s4 =	simm.s32 $0x0;
	v5 =	vld [tilespmem:s23+$0x42F0]  }
0x57: {  	v9 =	vld [tilespmem:s4+$0xD270]  }
0x58: {  	v12 =	vld [tilespmem:s4+$0xD200]  }
0x59: {  	v13 =	vld [tilespmem:s4+$0xD210]  }
0x5a: {  	v7 =	vld [tilespmem:s4+$0xD220]  }
0x5b: {  	s2 =	simm.s32 $0x80;
	v6 =	vld [tilespmem:s4+$0xD230]  }
0x5c: {  	s9 =	simm.s32 $0x400;
	s0 =	sor.u32 $0x80, s23;
	s31 =	sor.u32 $0x90, s23;
	v8 =	vld [tilespmem:s4+$0xD240]  }
0x5d: {  	s29 =	sor.u32 $0xA0, s23;
	s26 =	sor.u32 $0xB0, s23;
	s28 =	sor.u32 $0xC0, s23;
	v5 =	vadd.f32 v9, v5;
	v9 =	vld [tilespmem:s4+$0xD250]  }
0x5e: {  	s24 =	sor.u32 $0xD0, s23;
	s25 =	sor.u32 $0xE0, s23;
	s30 =	sor.u32 $0xF0, s23;
	v10 =	vadd.f32 v12, v10;
	v11 =	vadd.f32 v13, v11;
	v12 =	vld [tilespmem:s4+$0xD260]  }
.LBB2_6:
0x5f: {  	p0 =	sne.s32 s9, $0x3E00;
	v13 =	vld [tilespmem:s2+$0xD270];
	v4 =	vadd.f32 v7, v4  }
0x60: {  	v14 =	vld [tilespmem:s2+$0xD200];
	v3 =	vadd.f32 v6, v3  }
0x61: {  	v15 =	vld [tilespmem:s2+$0xD210];
	v2 =	vadd.f32 v8, v2  }
.Ltmp1:
0x62: {  	v7 =	vld [tilespmem:s2+$0xD220];
	v1 =	vadd.f32 v9, v1;
	(pc) =	sbr.rel @p0 .LBB2_6-.Ltmp1, $4  }
0x63: {  	v6 =	vld [tilespmem:s2+$0xD230];
	v0 =	vadd.f32 v12, v0  }
0x64: {  	v8 =	vld [tilespmem:s2+$0xD240];
	v5 =	vadd.f32 v13, v5  }
0x65: {  	v10 =	vadd.f32 v14, v10;
	v9 =	vld [tilespmem:s2+$0xD250]  }
0x66: {  	v11 =	vadd.f32 v15, v11;
	v12 =	vld [tilespmem:s2+$0xD260];
	s2 =	sshra.s32 s9, $0x2;
	s9 =	sadd.s32 $0x200, s9  }
0x67: {  	v14 =	vld [tilespmem:s2+$0xD200]  }
0x68: {  	v15 =	vld [tilespmem:s2+$0xD210]  }
0x69: {  	v16 =	vld [tilespmem:s2+$0xD220]  }
0x6a: {  	v17 =	vld [tilespmem:s2+$0xD230]  }
0x6b: {  	v18 =	vld [tilespmem:s2+$0xD240]  }
0x6c: {  	v4 =	vadd.f32 v7, v4;
	v7 =	vadd.f32 v14, v10;
	v10 =	vld [tilespmem:s2+$0xD250]  }
0x6d: {  	v3 =	vadd.f32 v6, v3;
	v6 =	vadd.f32 v15, v11;
	v11 =	vld [tilespmem:s2+$0xD260]  }
0x6e: {  	v13 =	vld [tilespmem:s2+$0xD270];
	v2 =	vadd.f32 v8, v2;
	v4 =	vadd.f32 v16, v4;
	[tilespmem:s0+$0x8200] =	vst v7  }
0x6f: {  	v1 =	vadd.f32 v9, v1;
	v3 =	vadd.f32 v17, v3;
	[tilespmem:s31+$0x8200] =	vst v6  }
0x70: {  	v0 =	vadd.f32 v12, v0;
	v2 =	vadd.f32 v18, v2;
	[tilespmem:s29+$0x8200] =	vst v4  }
0x71: {  	v1 =	vadd.f32 v10, v1;
	[tilespmem:s26+$0x8200] =	vst v3  }
0x72: {  	v0 =	vadd.f32 v11, v0;
	[tilespmem:s28+$0x8200] =	vst v2  }
0x73: {  	v2 =	vadd.f32 v13, v5;
	[tilespmem:s24+$0x8200] =	vst v1  }
0x74: {  	[tilespmem:s25+$0x8200] =	vst v0  }
0x75: {  	[tilespmem:s30+$0x8200] =	vst v2  }
0x76: {  	v10 =	vld [tilespmem:s23+$0x4300]  }
0x77: {  	v11 =	vld [tilespmem:s23+$0x4310]  }
0x78: {  	v4 =	vld [tilespmem:s23+$0x4320]  }
0x79: {  	v3 =	vld [tilespmem:s23+$0x4330]  }
0x7a: {  	v2 =	vld [tilespmem:s23+$0x4340]  }
0x7b: {  	v1 =	vld [tilespmem:s23+$0x4350]  }
0x7c: {  	v0 =	vld [tilespmem:s23+$0x4360]  }
0x7d: {  	s4 =	simm.s32 $0x0;
	v5 =	vld [tilespmem:s23+$0x4370]  }
0x7e: {  	v9 =	vld [tilespmem:s4+$0xE270]  }
0x7f: {  	v12 =	vld [tilespmem:s4+$0xE200]  }
0x80: {  	v13 =	vld [tilespmem:s4+$0xE210]  }
0x81: {  	v7 =	vld [tilespmem:s4+$0xE220]  }
0x82: {  	s9 =	simm.s32 $0x400;
	v6 =	vld [tilespmem:s4+$0xE230]  }
0x83: {  	s2 =	simm.s32 $0x80;
	s0 =	sor.u32 $0x100, s23;
	s31 =	sor.u32 $0x110, s23;
	v8 =	vld [tilespmem:s4+$0xE240]  }
0x84: {  	s29 =	sor.u32 $0x120, s23;
	s26 =	sor.u32 $0x130, s23;
	s28 =	sor.u32 $0x140, s23;
	v5 =	vadd.f32 v9, v5;
	v9 =	vld [tilespmem:s4+$0xE250]  }
0x85: {  	s24 =	sor.u32 $0x150, s23;
	s25 =	sor.u32 $0x160, s23;
	s30 =	sor.u32 $0x170, s23;
	v10 =	vadd.f32 v12, v10;
	v11 =	vadd.f32 v13, v11;
	v12 =	vld [tilespmem:s4+$0xE260]  }
.LBB2_8:
0x86: {  	p0 =	sne.s32 s9, $0x3E00;
	v13 =	vld [tilespmem:s2+$0xE270];
	v4 =	vadd.f32 v7, v4  }
0x87: {  	v14 =	vld [tilespmem:s2+$0xE200];
	v3 =	vadd.f32 v6, v3  }
0x88: {  	v15 =	vld [tilespmem:s2+$0xE210];
	v2 =	vadd.f32 v8, v2  }
.Ltmp2:
0x89: {  	v7 =	vld [tilespmem:s2+$0xE220];
	v1 =	vadd.f32 v9, v1;
	(pc) =	sbr.rel @p0 .LBB2_8-.Ltmp2, $4  }
0x8a: {  	v6 =	vld [tilespmem:s2+$0xE230];
	v0 =	vadd.f32 v12, v0  }
0x8b: {  	v8 =	vld [tilespmem:s2+$0xE240];
	v5 =	vadd.f32 v13, v5  }
0x8c: {  	v10 =	vadd.f32 v14, v10;
	v9 =	vld [tilespmem:s2+$0xE250]  }
0x8d: {  	v11 =	vadd.f32 v15, v11;
	v12 =	vld [tilespmem:s2+$0xE260];
	s2 =	sshra.s32 s9, $0x2;
	s9 =	sadd.s32 $0x200, s9  }
0x8e: {  	v14 =	vld [tilespmem:s2+$0xE200]  }
0x8f: {  	v15 =	vld [tilespmem:s2+$0xE210]  }
0x90: {  	v16 =	vld [tilespmem:s2+$0xE220]  }
0x91: {  	v17 =	vld [tilespmem:s2+$0xE230]  }
0x92: {  	v18 =	vld [tilespmem:s2+$0xE240]  }
0x93: {  	v4 =	vadd.f32 v7, v4;
	v7 =	vadd.f32 v14, v10;
	v10 =	vld [tilespmem:s2+$0xE250]  }
0x94: {  	v3 =	vadd.f32 v6, v3;
	v6 =	vadd.f32 v15, v11;
	v11 =	vld [tilespmem:s2+$0xE260]  }
0x95: {  	v13 =	vld [tilespmem:s2+$0xE270];
	v2 =	vadd.f32 v8, v2;
	v4 =	vadd.f32 v16, v4;
	[tilespmem:s0+$0x8200] =	vst v7  }
0x96: {  	v1 =	vadd.f32 v9, v1;
	v3 =	vadd.f32 v17, v3;
	[tilespmem:s31+$0x8200] =	vst v6  }
0x97: {  	v0 =	vadd.f32 v12, v0;
	v2 =	vadd.f32 v18, v2;
	[tilespmem:s29+$0x8200] =	vst v4  }
0x98: {  	v1 =	vadd.f32 v10, v1;
	[tilespmem:s26+$0x8200] =	vst v3  }
0x99: {  	v0 =	vadd.f32 v11, v0;
	[tilespmem:s28+$0x8200] =	vst v2  }
0x9a: {  	v2 =	vadd.f32 v13, v5;
	[tilespmem:s24+$0x8200] =	vst v1  }
0x9b: {  	[tilespmem:s25+$0x8200] =	vst v0  }
0x9c: {  	[tilespmem:s30+$0x8200] =	vst v2  }
0x9d: {  	v10 =	vld [tilespmem:s23+$0x4380]  }
0x9e: {  	v11 =	vld [tilespmem:s23+$0x4390]  }
0x9f: {  	v4 =	vld [tilespmem:s23+$0x43A0]  }
0xa0: {  	v3 =	vld [tilespmem:s23+$0x43B0]  }
0xa1: {  	v2 =	vld [tilespmem:s23+$0x43C0]  }
0xa2: {  	v1 =	vld [tilespmem:s23+$0x43D0]  }
0xa3: {  	v0 =	vld [tilespmem:s23+$0x43E0]  }
0xa4: {  	s4 =	simm.s32 $0x0;
	v5 =	vld [tilespmem:s23+$0x43F0]  }
0xa5: {  	v9 =	vld [tilespmem:s4+$0xF270]  }
0xa6: {  	v12 =	vld [tilespmem:s4+$0xF200]  }
0xa7: {  	v13 =	vld [tilespmem:s4+$0xF210]  }
0xa8: {  	v7 =	vld [tilespmem:s4+$0xF220]  }
0xa9: {  	s9 =	simm.s32 $0x400;
	v6 =	vld [tilespmem:s4+$0xF230]  }
0xaa: {  	s2 =	simm.s32 $0x80;
	s0 =	sor.u32 $0x180, s23;
	s29 =	sor.u32 $0x1A0, s23;
	v8 =	vld [tilespmem:s4+$0xF240]  }
0xab: {  	s26 =	sor.u32 $0x1B0, s23;
	s28 =	sor.u32 $0x1C0, s23;
	s24 =	sor.u32 $0x1E0, s23;
	v5 =	vadd.f32 v9, v5;
	v9 =	vld [tilespmem:s4+$0xF250]  }
0xac: {  	s25 =	sor.u32 $0x1D0, s23;
	s30 =	sor.u32 $0x190, s23;
	s23 =	sor.u32 $0x1F0, s23;
	v10 =	vadd.f32 v12, v10;
	v11 =	vadd.f32 v13, v11;
	v12 =	vld [tilespmem:s4+$0xF260]  }
.LBB2_10:
0xad: {  	p0 =	sne.s32 s9, $0x3E00;
	v13 =	vld [tilespmem:s2+$0xF270];
	v4 =	vadd.f32 v7, v4  }
0xae: {  	v14 =	vld [tilespmem:s2+$0xF200];
	v3 =	vadd.f32 v6, v3  }
0xaf: {  	v15 =	vld [tilespmem:s2+$0xF210];
	v2 =	vadd.f32 v8, v2  }
.Ltmp3:
0xb0: {  	v7 =	vld [tilespmem:s2+$0xF220];
	v1 =	vadd.f32 v9, v1;
	(pc) =	sbr.rel @p0 .LBB2_10-.Ltmp3, $4  }
0xb1: {  	v6 =	vld [tilespmem:s2+$0xF230];
	v0 =	vadd.f32 v12, v0  }
0xb2: {  	v8 =	vld [tilespmem:s2+$0xF240];
	v5 =	vadd.f32 v13, v5  }
0xb3: {  	v10 =	vadd.f32 v14, v10;
	v9 =	vld [tilespmem:s2+$0xF250]  }
0xb4: {  	v11 =	vadd.f32 v15, v11;
	v12 =	vld [tilespmem:s2+$0xF260];
	s2 =	sshra.s32 s9, $0x2;
	s9 =	sadd.s32 $0x200, s9  }
0xb5: {  	v14 =	vld [tilespmem:s2+$0xF200]  }
0xb6: {  	v15 =	vld [tilespmem:s2+$0xF210]  }
0xb7: {  	v16 =	vld [tilespmem:s2+$0xF220]  }
0xb8: {  	v17 =	vld [tilespmem:s2+$0xF230]  }
0xb9: {  	v18 =	vld [tilespmem:s2+$0xF240]  }
0xba: {  	v4 =	vadd.f32 v7, v4;
	v7 =	vadd.f32 v14, v10;
	v10 =	vld [tilespmem:s2+$0xF250]  }
0xbb: {  	v3 =	vadd.f32 v6, v3;
	v6 =	vadd.f32 v15, v11;
	v11 =	vld [tilespmem:s2+$0xF260]  }
0xbc: {  	v13 =	vld [tilespmem:s2+$0xF270];
	v2 =	vadd.f32 v8, v2;
	v4 =	vadd.f32 v16, v4;
	[tilespmem:s0+$0x8200] =	vst v7  }
0xbd: {  	v1 =	vadd.f32 v9, v1;
	v3 =	vadd.f32 v17, v3;
	[tilespmem:s30+$0x8200] =	vst v6  }
0xbe: {  	v0 =	vadd.f32 v12, v0;
	v2 =	vadd.f32 v18, v2;
	[tilespmem:s29+$0x8200] =	vst v4  }
0xbf: {  	v1 =	vadd.f32 v10, v1;
	[tilespmem:s26+$0x8200] =	vst v3  }
0xc0: {  	v0 =	vadd.f32 v11, v0;
	[tilespmem:s28+$0x8200] =	vst v2  }
0xc1: {  	s26 =	sshllo.u32 s21, $0x1;
	v2 =	vadd.f32 v13, v5;
	[tilespmem:s25+$0x8200] =	vst v1  }
0xc2: {  	p0 =	sgt.u32 s26, $0x1E;
	[tilespmem:s24+$0x8200] =	vst v0  }
0xc3: {  	s2 =	sadd.s32 @!p0 $0x100, s22;
	s4 =	simm.s32 @!p0 $0x80;
	s9 =	simm.s32 @!p0 $0xC200;
	[tilespmem:s23+$0x8200] =	vst v2  }
0xc4: {  	[tilespmem:s9], [sflag:$0x2] =	stream.indirect.gather @!p0 [hbm4b:s1+s4], $0x80, s2, s4, $0xb8;
	[tilespmem:$0x14200] =	vst v63  }
0xc5: {  	_ =	swait.ge [sflag:s16], $0x4000  }
0xc6: {  	[sflag:s16] =	ssyncset.done $0x0  }
0xc7: {  	s22 =	sshll.u32 s26, $0x9;
	[sflag:s16] =	ssyncadd.s32 $0xFFFFC000  }
0xc8: {  	v10 =	vld [tilespmem:s22+$0x4200]  }
0xc9: {  	v11 =	vld [tilespmem:s22+$0x4210]  }
0xca: {  	v4 =	vld [tilespmem:s22+$0x4220]  }
0xcb: {  	v3 =	vld [tilespmem:s22+$0x4230]  }
0xcc: {  	v2 =	vld [tilespmem:s22+$0x4240]  }
0xcd: {  	v1 =	vld [tilespmem:s22+$0x4250]  }
0xce: {  	v0 =	vld [tilespmem:s22+$0x4260]  }
0xcf: {  	s31 =	simm.s32 $0x0;
	v5 =	vld [tilespmem:s22+$0x4270]  }
0xd0: {  	v9 =	vld [tilespmem:s31+$0x10270]  }
0xd1: {  	v12 =	vld [tilespmem:s31+$0x10200]  }
0xd2: {  	v13 =	vld [tilespmem:s31+$0x10210]  }
0xd3: {  	v8 =	vld [tilespmem:s31+$0x10220]  }
0xd4: {  	v6 =	vld [tilespmem:s31+$0x10230]  }
0xd5: {  	s0 =	simm.s32 $0x80;
	s30 =	sor.u32 $0x10, s22;
	s28 =	sor.u32 $0x20, s22;
	v7 =	vld [tilespmem:s31+$0x10240]  }
0xd6: {  	s25 =	sor.u32 $0x30, s22;
	s26 =	sor.u32 $0x40, s22;
	s24 =	sor.u32 $0x60, s22;
	v5 =	vadd.f32 v9, v5;
	v9 =	vld [tilespmem:s31+$0x10250]  }
0xd7: {  	s29 =	sor.u32 $0x70, s22;
	s23 =	sor.u32 $0x50, s22;
	s2 =	simm.s32 $0x400;
	v10 =	vadd.f32 v12, v10;
	v11 =	vadd.f32 v13, v11;
	v12 =	vld [tilespmem:s31+$0x10260]  }
.LBB2_12:
0xd8: {  	p0 =	sne.s32 s2, $0x3E00;
	v13 =	vld [tilespmem:s0+$0x10270];
	v4 =	vadd.f32 v8, v4  }
0xd9: {  	v14 =	vld [tilespmem:s0+$0x10200];
	v3 =	vadd.f32 v6, v3  }
0xda: {  	v15 =	vld [tilespmem:s0+$0x10210];
	v2 =	vadd.f32 v7, v2  }
.Ltmp4:
0xdb: {  	v8 =	vld [tilespmem:s0+$0x10220];
	v1 =	vadd.f32 v9, v1;
	(pc) =	sbr.rel @p0 .LBB2_12-.Ltmp4, $4  }
0xdc: {  	v6 =	vld [tilespmem:s0+$0x10230];
	v0 =	vadd.f32 v12, v0  }
0xdd: {  	v7 =	vld [tilespmem:s0+$0x10240];
	v5 =	vadd.f32 v13, v5  }
0xde: {  	v10 =	vadd.f32 v14, v10;
	v9 =	vld [tilespmem:s0+$0x10250]  }
0xdf: {  	v11 =	vadd.f32 v15, v11;
	v12 =	vld [tilespmem:s0+$0x10260];
	s0 =	sshra.s32 s2, $0x2;
	s2 =	sadd.s32 $0x200, s2  }
0xe0: {  	v14 =	vld [tilespmem:s0+$0x10200]  }
0xe1: {  	v15 =	vld [tilespmem:s0+$0x10210]  }
0xe2: {  	v16 =	vld [tilespmem:s0+$0x10220]  }
0xe3: {  	v17 =	vld [tilespmem:s0+$0x10230]  }
0xe4: {  	v18 =	vld [tilespmem:s0+$0x10240]  }
0xe5: {  	v4 =	vadd.f32 v8, v4;
	v8 =	vadd.f32 v14, v10;
	v10 =	vld [tilespmem:s0+$0x10250]  }
0xe6: {  	v3 =	vadd.f32 v6, v3;
	v6 =	vadd.f32 v15, v11;
	v11 =	vld [tilespmem:s0+$0x10260]  }
0xe7: {  	v13 =	vld [tilespmem:s0+$0x10270];
	v2 =	vadd.f32 v7, v2;
	v4 =	vadd.f32 v16, v4;
	[tilespmem:s22+$0x8200] =	vst v8  }
0xe8: {  	v1 =	vadd.f32 v9, v1;
	v3 =	vadd.f32 v17, v3;
	[tilespmem:s30+$0x8200] =	vst v6  }
0xe9: {  	v0 =	vadd.f32 v12, v0;
	v2 =	vadd.f32 v18, v2;
	[tilespmem:s28+$0x8200] =	vst v4  }
0xea: {  	v1 =	vadd.f32 v10, v1;
	[tilespmem:s25+$0x8200] =	vst v3  }
0xeb: {  	v0 =	vadd.f32 v11, v0;
	[tilespmem:s26+$0x8200] =	vst v2  }
0xec: {  	v2 =	vadd.f32 v13, v5;
	[tilespmem:s23+$0x8200] =	vst v1  }
0xed: {  	[tilespmem:s24+$0x8200] =	vst v0  }
0xee: {  	[tilespmem:s29+$0x8200] =	vst v2  }
0xef: {  	v10 =	vld [tilespmem:s22+$0x4280]  }
0xf0: {  	v11 =	vld [tilespmem:s22+$0x4290]  }
0xf1: {  	v4 =	vld [tilespmem:s22+$0x42A0]  }
0xf2: {  	v3 =	vld [tilespmem:s22+$0x42B0]  }
0xf3: {  	v2 =	vld [tilespmem:s22+$0x42C0]  }
0xf4: {  	v1 =	vld [tilespmem:s22+$0x42D0]  }
0xf5: {  	v0 =	vld [tilespmem:s22+$0x42E0]  }
0xf6: {  	s4 =	simm.s32 $0x0;
	v5 =	vld [tilespmem:s22+$0x42F0]  }
0xf7: {  	v9 =	vld [tilespmem:s4+$0x11270]  }
0xf8: {  	v12 =	vld [tilespmem:s4+$0x11200]  }
0xf9: {  	v13 =	vld [tilespmem:s4+$0x11210]  }
0xfa: {  	v7 =	vld [tilespmem:s4+$0x11220]  }
0xfb: {  	s2 =	simm.s32 $0x80;
	v6 =	vld [tilespmem:s4+$0x11230]  }
0xfc: {  	s9 =	simm.s32 $0x400;
	s0 =	sor.u32 $0x80, s22;
	s30 =	sor.u32 $0x90, s22;
	v8 =	vld [tilespmem:s4+$0x11240]  }
0xfd: {  	s28 =	sor.u32 $0xA0, s22;
	s25 =	sor.u32 $0xB0, s22;
	s26 =	sor.u32 $0xC0, s22;
	v5 =	vadd.f32 v9, v5;
	v9 =	vld [tilespmem:s4+$0x11250]  }
0xfe: {  	s23 =	sor.u32 $0xD0, s22;
	s24 =	sor.u32 $0xE0, s22;
	s29 =	sor.u32 $0xF0, s22;
	v10 =	vadd.f32 v12, v10;
	v11 =	vadd.f32 v13, v11;
	v12 =	vld [tilespmem:s4+$0x11260]  }
.LBB2_14:
0xff: {  	p0 =	sne.s32 s9, $0x3E00;
	v13 =	vld [tilespmem:s2+$0x11270];
	v4 =	vadd.f32 v7, v4  }
0x100: {  	v14 =	vld [tilespmem:s2+$0x11200];
	v3 =	vadd.f32 v6, v3  }
0x101: {  	v15 =	vld [tilespmem:s2+$0x11210];
	v2 =	vadd.f32 v8, v2  }
.Ltmp5:
0x102: {  	v7 =	vld [tilespmem:s2+$0x11220];
	v1 =	vadd.f32 v9, v1;
	(pc) =	sbr.rel @p0 .LBB2_14-.Ltmp5, $4  }
0x103: {  	v6 =	vld [tilespmem:s2+$0x11230];
	v0 =	vadd.f32 v12, v0  }
0x104: {  	v8 =	vld [tilespmem:s2+$0x11240];
	v5 =	vadd.f32 v13, v5  }
0x105: {  	v10 =	vadd.f32 v14, v10;
	v9 =	vld [tilespmem:s2+$0x11250]  }
0x106: {  	v11 =	vadd.f32 v15, v11;
	v12 =	vld [tilespmem:s2+$0x11260];
	s2 =	sshra.s32 s9, $0x2;
	s9 =	sadd.s32 $0x200, s9  }
0x107: {  	v14 =	vld [tilespmem:s2+$0x11200]  }
0x108: {  	v15 =	vld [tilespmem:s2+$0x11210]  }
0x109: {  	v16 =	vld [tilespmem:s2+$0x11220]  }
0x10a: {  	v17 =	vld [tilespmem:s2+$0x11230]  }
0x10b: {  	v18 =	vld [tilespmem:s2+$0x11240]  }
0x10c: {  	v4 =	vadd.f32 v7, v4;
	v7 =	vadd.f32 v14, v10;
	v10 =	vld [tilespmem:s2+$0x11250]  }
0x10d: {  	v3 =	vadd.f32 v6, v3;
	v6 =	vadd.f32 v15, v11;
	v11 =	vld [tilespmem:s2+$0x11260]  }
0x10e: {  	v13 =	vld [tilespmem:s2+$0x11270];
	v2 =	vadd.f32 v8, v2;
	v4 =	vadd.f32 v16, v4;
	[tilespmem:s0+$0x8200] =	vst v7  }
0x10f: {  	v1 =	vadd.f32 v9, v1;
	v3 =	vadd.f32 v17, v3;
	[tilespmem:s30+$0x8200] =	vst v6  }
0x110: {  	v0 =	vadd.f32 v12, v0;
	v2 =	vadd.f32 v18, v2;
	[tilespmem:s28+$0x8200] =	vst v4  }
0x111: {  	v1 =	vadd.f32 v10, v1;
	[tilespmem:s25+$0x8200] =	vst v3  }
0x112: {  	v0 =	vadd.f32 v11, v0;
	[tilespmem:s26+$0x8200] =	vst v2  }
0x113: {  	v2 =	vadd.f32 v13, v5;
	[tilespmem:s23+$0x8200] =	vst v1  }
0x114: {  	[tilespmem:s24+$0x8200] =	vst v0  }
0x115: {  	[tilespmem:s29+$0x8200] =	vst v2  }
0x116: {  	v10 =	vld [tilespmem:s22+$0x4300]  }
0x117: {  	v11 =	vld [tilespmem:s22+$0x4310]  }
0x118: {  	v4 =	vld [tilespmem:s22+$0x4320]  }
0x119: {  	v3 =	vld [tilespmem:s22+$0x4330]  }
0x11a: {  	v2 =	vld [tilespmem:s22+$0x4340]  }
0x11b: {  	v1 =	vld [tilespmem:s22+$0x4350]  }
0x11c: {  	v0 =	vld [tilespmem:s22+$0x4360]  }
0x11d: {  	s4 =	simm.s32 $0x0;
	v5 =	vld [tilespmem:s22+$0x4370]  }
0x11e: {  	v9 =	vld [tilespmem:s4+$0x12270]  }
0x11f: {  	v12 =	vld [tilespmem:s4+$0x12200]  }
0x120: {  	v13 =	vld [tilespmem:s4+$0x12210]  }
0x121: {  	v7 =	vld [tilespmem:s4+$0x12220]  }
0x122: {  	s9 =	simm.s32 $0x400;
	v6 =	vld [tilespmem:s4+$0x12230]  }
0x123: {  	s2 =	simm.s32 $0x80;
	s0 =	sor.u32 $0x100, s22;
	s30 =	sor.u32 $0x110, s22;
	v8 =	vld [tilespmem:s4+$0x12240]  }
0x124: {  	s28 =	sor.u32 $0x120, s22;
	s25 =	sor.u32 $0x130, s22;
	s26 =	sor.u32 $0x140, s22;
	v5 =	vadd.f32 v9, v5;
	v9 =	vld [tilespmem:s4+$0x12250]  }
0x125: {  	s23 =	sor.u32 $0x150, s22;
	s24 =	sor.u32 $0x160, s22;
	s29 =	sor.u32 $0x170, s22;
	v10 =	vadd.f32 v12, v10;
	v11 =	vadd.f32 v13, v11;
	v12 =	vld [tilespmem:s4+$0x12260]  }
.LBB2_16:
0x126: {  	p0 =	sne.s32 s9, $0x3E00;
	v13 =	vld [tilespmem:s2+$0x12270];
	v4 =	vadd.f32 v7, v4  }
0x127: {  	v14 =	vld [tilespmem:s2+$0x12200];
	v3 =	vadd.f32 v6, v3  }
0x128: {  	v15 =	vld [tilespmem:s2+$0x12210];
	v2 =	vadd.f32 v8, v2  }
.Ltmp6:
0x129: {  	v7 =	vld [tilespmem:s2+$0x12220];
	v1 =	vadd.f32 v9, v1;
	(pc) =	sbr.rel @p0 .LBB2_16-.Ltmp6, $4  }
0x12a: {  	v6 =	vld [tilespmem:s2+$0x12230];
	v0 =	vadd.f32 v12, v0  }
0x12b: {  	v8 =	vld [tilespmem:s2+$0x12240];
	v5 =	vadd.f32 v13, v5  }
0x12c: {  	v10 =	vadd.f32 v14, v10;
	v9 =	vld [tilespmem:s2+$0x12250]  }
0x12d: {  	v11 =	vadd.f32 v15, v11;
	v12 =	vld [tilespmem:s2+$0x12260];
	s2 =	sshra.s32 s9, $0x2;
	s9 =	sadd.s32 $0x200, s9  }
0x12e: {  	v14 =	vld [tilespmem:s2+$0x12200]  }
0x12f: {  	v15 =	vld [tilespmem:s2+$0x12210]  }
0x130: {  	v16 =	vld [tilespmem:s2+$0x12220]  }
0x131: {  	v17 =	vld [tilespmem:s2+$0x12230]  }
0x132: {  	v18 =	vld [tilespmem:s2+$0x12240]  }
0x133: {  	v4 =	vadd.f32 v7, v4;
	v7 =	vadd.f32 v14, v10;
	v10 =	vld [tilespmem:s2+$0x12250]  }
0x134: {  	v3 =	vadd.f32 v6, v3;
	v6 =	vadd.f32 v15, v11;
	v11 =	vld [tilespmem:s2+$0x12260]  }
0x135: {  	v13 =	vld [tilespmem:s2+$0x12270];
	v2 =	vadd.f32 v8, v2;
	v4 =	vadd.f32 v16, v4;
	[tilespmem:s0+$0x8200] =	vst v7  }
0x136: {  	v1 =	vadd.f32 v9, v1;
	v3 =	vadd.f32 v17, v3;
	[tilespmem:s30+$0x8200] =	vst v6  }
0x137: {  	v0 =	vadd.f32 v12, v0;
	v2 =	vadd.f32 v18, v2;
	[tilespmem:s28+$0x8200] =	vst v4  }
0x138: {  	v1 =	vadd.f32 v10, v1;
	[tilespmem:s25+$0x8200] =	vst v3  }
0x139: {  	v0 =	vadd.f32 v11, v0;
	[tilespmem:s26+$0x8200] =	vst v2  }
0x13a: {  	v2 =	vadd.f32 v13, v5;
	[tilespmem:s23+$0x8200] =	vst v1  }
0x13b: {  	[tilespmem:s24+$0x8200] =	vst v0  }
0x13c: {  	[tilespmem:s29+$0x8200] =	vst v2  }
0x13d: {  	v10 =	vld [tilespmem:s22+$0x4380]  }
0x13e: {  	v11 =	vld [tilespmem:s22+$0x4390]  }
0x13f: {  	v4 =	vld [tilespmem:s22+$0x43A0]  }
0x140: {  	v3 =	vld [tilespmem:s22+$0x43B0]  }
0x141: {  	v2 =	vld [tilespmem:s22+$0x43C0]  }
0x142: {  	v1 =	vld [tilespmem:s22+$0x43D0]  }
0x143: {  	v0 =	vld [tilespmem:s22+$0x43E0]  }
0x144: {  	s4 =	simm.s32 $0x0;
	v5 =	vld [tilespmem:s22+$0x43F0]  }
0x145: {  	v9 =	vld [tilespmem:s4+$0x13270]  }
0x146: {  	v12 =	vld [tilespmem:s4+$0x13200]  }
0x147: {  	v13 =	vld [tilespmem:s4+$0x13210]  }
0x148: {  	v7 =	vld [tilespmem:s4+$0x13220]  }
0x149: {  	s9 =	simm.s32 $0x400;
	v6 =	vld [tilespmem:s4+$0x13230]  }
0x14a: {  	s2 =	simm.s32 $0x80;
	s0 =	sor.u32 $0x180, s22;
	s28 =	sor.u32 $0x1A0, s22;
	v8 =	vld [tilespmem:s4+$0x13240]  }
0x14b: {  	s25 =	sor.u32 $0x1B0, s22;
	s26 =	sor.u32 $0x1C0, s22;
	s23 =	sor.u32 $0x1E0, s22;
	v5 =	vadd.f32 v9, v5;
	v9 =	vld [tilespmem:s4+$0x13250]  }
0x14c: {  	s24 =	sor.u32 $0x1D0, s22;
	s29 =	sor.u32 $0x190, s22;
	s22 =	sor.u32 $0x1F0, s22;
	v10 =	vadd.f32 v12, v10;
	v11 =	vadd.f32 v13, v11;
	v12 =	vld [tilespmem:s4+$0x13260]  }
.LBB2_18:
0x14d: {  	p0 =	sne.s32 s9, $0x3E00;
	v13 =	vld [tilespmem:s2+$0x13270];
	v4 =	vadd.f32 v7, v4  }
0x14e: {  	v14 =	vld [tilespmem:s2+$0x13200];
	v3 =	vadd.f32 v6, v3  }
0x14f: {  	v15 =	vld [tilespmem:s2+$0x13210];
	v2 =	vadd.f32 v8, v2  }
.Ltmp7:
0x150: {  	v7 =	vld [tilespmem:s2+$0x13220];
	v1 =	vadd.f32 v9, v1;
	(pc) =	sbr.rel @p0 .LBB2_18-.Ltmp7, $4  }
0x151: {  	v6 =	vld [tilespmem:s2+$0x13230];
	v0 =	vadd.f32 v12, v0  }
0x152: {  	v8 =	vld [tilespmem:s2+$0x13240];
	v5 =	vadd.f32 v13, v5  }
0x153: {  	v10 =	vadd.f32 v14, v10;
	v9 =	vld [tilespmem:s2+$0x13250]  }
0x154: {  	v11 =	vadd.f32 v15, v11;
	v12 =	vld [tilespmem:s2+$0x13260];
	s2 =	sshra.s32 s9, $0x2;
	s9 =	sadd.s32 $0x200, s9  }
0x155: {  	v14 =	vld [tilespmem:s2+$0x13200]  }
0x156: {  	v15 =	vld [tilespmem:s2+$0x13210]  }
0x157: {  	v16 =	vld [tilespmem:s2+$0x13220]  }
0x158: {  	v17 =	vld [tilespmem:s2+$0x13230]  }
0x159: {  	v18 =	vld [tilespmem:s2+$0x13240]  }
0x15a: {  	v4 =	vadd.f32 v7, v4;
	v60 =	vld [tilespmem:s2+$0x13250];
	v59 =	vadd.f32 v14, v10  }
0x15b: {  	v62 =	vld [tilespmem:s2+$0x13260];
	v3 =	vadd.f32 v6, v3;
	v61 =	vadd.f32 v15, v11  }
0x15c: {  	v13 =	vld [tilespmem:s2+$0x13270];
	v2 =	vadd.f32 v8, v2;
	v4 =	vadd.f32 v16, v4;
	[tilespmem:s0+$0x8200] =	vst v59  }
0x15d: {  	s21 =	sadd.s32 $0x1, s21;
	v1 =	vadd.f32 v9, v1;
	v3 =	vadd.f32 v17, v3;
	[tilespmem:s29+$0x8200] =	vst v61  }
0x15e: {  	p0 =	sne.s32 s21, $0x10;
	v0 =	vadd.f32 v12, v0;
	v2 =	vadd.f32 v18, v2;
	[tilespmem:s28+$0x8200] =	vst v4  }
.Ltmp8:
0x15f: {  	v1 =	vadd.f32 v60, v1;
	[tilespmem:s25+$0x8200] =	vst v3;
	(pc) =	sbr.rel @p0 .LBB2_3-.Ltmp8, $4  }
0x160: {  	v0 =	vadd.f32 v62, v0;
	[tilespmem:s26+$0x8200] =	vst v2  }
0x161: {  	v63 =	vadd.f32 v13, v5;
	[tilespmem:s24+$0x8200] =	vst v1  }
0x162: {  	[tilespmem:s23+$0x8200] =	vst v0  }
0x163: {  	[tilespmem:s22+$0x8200] =	vst v63  }
0x164: {  	s0 =	sshll.u32 s19, $0xB;
	s19 =	sadd.s32 $0x1, s19  }
0x165: {  	p0 =	sne.s32 s19, $0x4  }
.Ltmp9:
0x166: {  	s0 =	sadd.s32 s0, s6;
	(pc) =	sbr.rel @p0 .LBB2_2-.Ltmp9, $4  }
0x167: {  	[hbm4b:s0+s3] =	stream.linear.scatter [tilespmem:s17], [sflag:$0x4], $0x4000, $0x38;
	[tilespmem:$0x14200] =	vst v63  }
0x168: {  	_ =	swait.ge [sflag:s8], $0x4000  }
0x169: {  	[sflag:s8] =	ssyncset.done $0x0  }
0x16a: {  	[sflag:s8] =	ssyncadd.s32 $0xFFFFC000  }
0x16b: {  	s18 =	sadd.s32 $0x1, s18  }
0x16c: {  	p0 =	sne.s32 s18, s7  }
.Ltmp10:
0x16d: {  	_ = 	snop;
	(pc) =	sbr.rel @p0 .LBB2_1-.Ltmp10, $1  }
0x16e: {  	_ =	sdelay $0x3  }
0x16f: {  	_ =	sfence.sel $0x180000  }
0x170: {  	[bflag:$0x0] =	sbarrier.arrive $0xFFFF  }
0x171: {  	_ =	strace $0x90000047  }
0x172: {  	s0 =	stileid.u32;
	[bflag:$0x2] =	sbarrier.arrive $0xFFFF  }
0x173: {  	p0 =	sne.s32 s0, $0x0;
	s0 =	rddreg [dreg:$0x4]  }
0x174: {  	s0 =	sadd.s32 @!p0 $0x100000, s0  }
0x175: {  	[sflag:s0] =	ssyncadd.tile.s32 @!p0 $0x1;
	_ =	shalt  }
.Lfunc_end2:
_tile_overlayer_lowered:
.L_overlay_start_2:
0x176: {  	(tag) =	ssettag $0x2  }
0x177: {  	s0 =	rddreg [dreg:$0x0];
	s2 =	stileid.u32  }
0x178: {  	s1 =	rddreg [dreg:$0x1];
	p0 =	sne.s32 s2, $0x0  }
0x179: {  	s3 =	rddreg [dreg:$0x2];
	[bflag:$0x3] =	sbarrier.arrive $0xFFFF;
	s2 =	simm.s32 @!p0 $0x1C04  }
0x17a: {  	[timem:s3], [sflag:s2] =	dma.local @!p0 [hbm:s0], s1  }
0x17b: {  	s0 =	simm.s32 @!p0 $0x4  }
0x17c: {  	_ =	swait.ge @!p0 [sflag:s0], s1  }
0x17d: {  	s1 =	ssub.s32 @!p0 $0x0, s1;
	[sflag:s0] =	ssyncset.done @!p0 $0x0  }
0x17e: {  	[sflag:s0] =	ssyncadd.s32 @!p0 s1  }
0x17f: {  	[bflag:$0x3] =	sbarrier.arrive $0xFFFF  }
0x180: {  	_ =	shalt  }

</sc_bundles>
